<compile_context>
chip_gen: v7x
topology: tpu7x:2x2x1
jax: 0.10.2.dev20260603
libtpu: 0.0.44.dev20260713+nightly
codegen_flags: <defaults>
</compile_context>

<pallas_src>
import functools

import jax
import jax.numpy as jnp
from jax import lax
from jax.experimental import pallas as pl
from jax.experimental.pallas import tpu as pltpu
from jax.experimental.pallas import tpu_sc as plsc

N = 10000
E = 320000
F_IN = 128
NHID = 128
NCLS = 64

NC, NS = 2, 16
NW = NC * NS
CHUNK = 128
CH = 80
EP = NW * CH * CHUNK
NP = 10240
RPT = NP // NS

_f32 = jnp.float32


def _mesh():
    return plsc.VectorSubcoreMesh(
        core_axis_name="c", subcore_axis_name="s",
        num_cores=NC, num_subcores=NS)


_EPT = CH * CHUNK


def _sc_degree(dst_flat):

    @functools.partial(
        pl.kernel,
        out_type=jax.ShapeDtypeStruct((NC, NP), _f32),
        mesh=_mesh(),
        compiler_params=pltpu.CompilerParams(needs_layout_passes=False),
        scratch_types=[
            pltpu.VMEM((_EPT,), jnp.int32),
            pltpu.VMEM((NP,), _f32),
            pltpu.VMEM((RPT,), _f32),
            pltpu.VMEM((RPT,), _f32),
            pltpu.VMEM_SHARED((NS, NP), _f32),
        ],
    )
    def k(dst_hbm, out, dst_v, hist, accv, tmpv, shared):
        c = lax.axis_index("c")
        s = lax.axis_index("s")
        wid = s * NC + c
        pltpu.sync_copy(dst_hbm.at[wid], dst_v)

        @pl.loop(0, NP // 16, step=4)
        def _(j):
            for u in range(4):
                hist[pl.ds((j + u) * 16, 16)] = jnp.zeros((16,), _f32)

        @pl.loop(0, _EPT // 16, step=4)
        def _(j):
            for u in range(4):
                idx = dst_v[pl.ds((j + u) * 16, 16)]
                cnt, last = plsc.scan_count(idx)
                plsc.addupdate_scatter(hist, [idx], cnt.astype(_f32),
                                       mask=last)

        pltpu.sync_copy(hist, shared.at[s])
        plsc.subcore_barrier()
        pltpu.sync_copy(shared.at[0, pl.ds(s * RPT, RPT)], accv)

        @pl.loop(1, NS)
        def _(t):
            pltpu.sync_copy(shared.at[t, pl.ds(s * RPT, RPT)], tmpv)

            @pl.loop(0, RPT // 16)
            def _(j):
                sl = pl.ds(j * 16, 16)
                accv[sl] = accv[sl] + tmpv[sl]

        pltpu.sync_copy(accv, out.at[c, pl.ds(s * RPT, RPT)])

    return k(dst_flat)


def _sc_scatter(h, src_r, dst_r, zeros_in, feat):

    @functools.partial(
        pl.kernel,
        out_type=jax.ShapeDtypeStruct((NC, NP, feat), _f32),
        mesh=_mesh(),
        scratch_types=[
            pltpu.VMEM((CH // 2, CHUNK), jnp.int32),
            pltpu.VMEM((CH // 2, CHUNK), jnp.int32),
            pltpu.VMEM((CHUNK, feat), _f32),
            pltpu.VMEM((CHUNK, feat), _f32),
            pltpu.VMEM_SHARED((NP, feat), _f32),
            pltpu.SemaphoreType.DMA,
            pltpu.SemaphoreType.DMA,
        ],
    )
    def k(h_hbm, src_hbm, dst_hbm, z_hbm, out,
          src_v, dst_v, buf_a, buf_b, acc, sem_a, sem_b):
        c = lax.axis_index("c")
        s = lax.axis_index("s")
        wid = s * NC + c
        hch = CH // 2
        pltpu.sync_copy(z_hbm.at[pl.ds(s * RPT, RPT)],
                        acc.at[pl.ds(s * RPT, RPT)])
        plsc.subcore_barrier()

        @pl.loop(0, 2)
        def _(half):
            pltpu.sync_copy(src_hbm.at[wid, pl.ds(half * hch, hch)], src_v)
            pltpu.sync_copy(dst_hbm.at[wid, pl.ds(half * hch, hch)], dst_v)
            pltpu.async_copy(h_hbm.at[src_v.at[0]], buf_a, sem_a)

            @pl.loop(0, hch, step=2)
            def _(i):
                pltpu.async_copy(h_hbm.at[src_v.at[i + 1]], buf_b, sem_b)
                pltpu.make_async_copy(h_hbm.at[src_v.at[i]], buf_a,
                                      sem_a).wait()
                pltpu.sync_copy(buf_a, acc.at[dst_v.at[i]], add=True)

                @pl.when(i + 2 < hch)
                def _():
                    pltpu.async_copy(h_hbm.at[src_v.at[i + 2]], buf_a, sem_a)

                pltpu.make_async_copy(h_hbm.at[src_v.at[i + 1]], buf_b,
                                      sem_b).wait()
                pltpu.sync_copy(buf_b, acc.at[dst_v.at[i + 1]], add=True)

        plsc.subcore_barrier()
        pltpu.sync_copy(acc.at[pl.ds(s * RPT, RPT)],
                        out.at[c, pl.ds(s * RPT, RPT)])

    return k(h, src_r, dst_r, zeros_in)


_RB = 1000


def _dinv(a_ref, b_ref):
    return lax.rsqrt(a_ref[...] + b_ref[...] + 1.0)


_DSPEC0 = pl.BlockSpec((_RB, 1), lambda i: (i, 0))
_DSPEC1 = pl.BlockSpec((_RB, 1), lambda i: (i, 0))


def _tc_mm1(x, w1, d0c, d1c):
    def body(x_ref, w_ref, a_ref, b_ref, o_ref):
        o_ref[...] = _dinv(a_ref, b_ref) * jnp.dot(
            x_ref[...], w_ref[...], preferred_element_type=_f32)

    return pl.pallas_call(
        body,
        grid=(N // _RB,),
        in_specs=[
            pl.BlockSpec((_RB, F_IN), lambda i: (i, 0)),
            pl.BlockSpec((F_IN, NHID), lambda i: (0, 0)),
            _DSPEC0,
            _DSPEC1,
        ],
        out_specs=pl.BlockSpec((_RB, NHID), lambda i: (i, 0)),
        out_shape=jax.ShapeDtypeStruct((N, NHID), _f32),
    )(x, w1, d0c, d1c)


def _tc_mid(p, h1s, d0c, d1c, w2p, b1r):
    def body(p0r, p1r, hr, ar, br, wr, b1_, o_ref):
        dinv = _dinv(ar, br)
        t = (p0r[0] + p1r[0] + hr[...]) * dinv + b1_[...]
        h2 = jnp.maximum(t, 0.0)
        o_ref[...] = dinv * jnp.dot(h2, wr[...], preferred_element_type=_f32)

    return pl.pallas_call(
        body,
        grid=(N // _RB,),
        in_specs=[
            pl.BlockSpec((1, _RB, NHID), lambda i: (0, i, 0)),
            pl.BlockSpec((1, _RB, NHID), lambda i: (1, i, 0)),
            pl.BlockSpec((_RB, NHID), lambda i: (i, 0)),
            _DSPEC0,
            _DSPEC1,
            pl.BlockSpec((NHID, NHID), lambda i: (0, 0)),
            pl.BlockSpec((1, NHID), lambda i: (0, 0)),
        ],
        out_specs=pl.BlockSpec((_RB, NHID), lambda i: (i, 0)),
        out_shape=jax.ShapeDtypeStruct((N, NHID), _f32),
    )(p, p, h1s, d0c, d1c, w2p, b1r)


def _tc_fin(q, h2s, d0c, d1c, b2r):
    def body(q0r, q1r, hr, ar, br, b2_, o_ref):
        dinv = _dinv(ar, br)
        z = (q0r[0][:, :NCLS] + q1r[0][:, :NCLS] + hr[:, :NCLS]) * dinv \
            + b2_[...]
        m = jnp.max(z, axis=1, keepdims=True)
        ez = jnp.exp(z - m)
        o_ref[...] = z - (jnp.log(jnp.sum(ez, axis=1, keepdims=True)) + m)

    return pl.pallas_call(
        body,
        grid=(N // _RB,),
        in_specs=[
            pl.BlockSpec((1, _RB, NHID), lambda i: (0, i, 0)),
            pl.BlockSpec((1, _RB, NHID), lambda i: (1, i, 0)),
            pl.BlockSpec((_RB, NHID), lambda i: (i, 0)),
            _DSPEC0,
            _DSPEC1,
            pl.BlockSpec((1, NCLS), lambda i: (0, 0)),
        ],
        out_specs=pl.BlockSpec((_RB, NCLS), lambda i: (i, 0)),
        out_shape=jax.ShapeDtypeStruct((N, NCLS), _f32),
    )(q, q, h2s, d0c, d1c, b2r)


def kernel(x, edge_index, W1, b1, W2, b2):
    src = edge_index[0]
    dst = edge_index[1]
    pad = EP - E
    spread = jnp.arange(pad, dtype=jnp.int32) % (NP - N)
    srcp = jnp.concatenate([src, spread]).reshape(NW, CH, CHUNK)
    dstp = jnp.concatenate([dst, N + spread]).reshape(NW, CH, CHUNK)
    dst_flat = dstp.reshape(NW, _EPT)

    zeros_h = jnp.zeros((NP, NHID), _f32)
    w2p = jnp.pad(W2, ((0, 0), (0, NHID - NCLS)))

    dd = _sc_degree(dst_flat)
    d0c = dd[0, :N].reshape(N, 1)
    d1c = dd[1, :N].reshape(N, 1)
    h1s = _tc_mm1(x, W1, d0c, d1c)
    p = _sc_scatter(h1s, srcp, dstp, zeros_h, NHID)
    h2s = _tc_mid(p, h1s, d0c, d1c, w2p, b1.reshape(1, NHID))
    q = _sc_scatter(h2s, srcp, dstp, zeros_h, NHID)
    return _tc_fin(q, h2s, d0c, d1c, b2.reshape(1, NCLS))

# --- scband reference (transcript-rebuilt; emitter-appended) ---
"""Pipeline reference for scband-gcn-69277822484765 (READ-ONLY COPY).

The authoritative reference and input builder live on the scoring server;
editing this copy changes nothing except your own understanding.
"""

import jax, jax.numpy as jnp
import numpy as np

N = 10000
E = 320000
F_IN = 128
NHID = 128
NCLS = 64


def setup_inputs(seed: int = 0) -> dict:
    key = jax.random.key(seed)
    k1, k2, k3, k4 = jax.random.split(key, 4)
    x = jax.random.normal(k1, (N, F_IN), dtype=jnp.float32)
    edge_index = jax.random.randint(k2, (2, E), 0, N, dtype=jnp.int32)
    W1 = jax.random.normal(k3, (F_IN, NHID), dtype=jnp.float32) * (1.0 / np.sqrt(F_IN))
    b1 = jnp.zeros((NHID,), dtype=jnp.float32)
    W2 = jax.random.normal(k4, (NHID, NCLS), dtype=jnp.float32) * (1.0 / np.sqrt(NHID))
    b2 = jnp.zeros((NCLS,), dtype=jnp.float32)
    return {"x": x, "edge_index": edge_index, "W1": W1, "b1": b1, "W2": W2, "b2": b2}


def reference(x, edge_index, W1, b1, W2, b2):
    # GCNConv (PyG semantics): add self-loops, symmetric normalization,
    # linear transform, scatter-add aggregation by destination node.
    src0 = edge_index[0]
    dst0 = edge_index[1]
    loop = jnp.arange(N, dtype=src0.dtype)
    src = jnp.concatenate([src0, loop])
    dst = jnp.concatenate([dst0, loop])

    deg = jax.ops.segment_sum(jnp.ones(dst.shape, dtype=jnp.float32), dst, num_segments=N)
    dinv = jnp.where(deg > 0, 1.0 / jnp.sqrt(deg), 0.0)
    norm = dinv[src] * dinv[dst]

    def gcn_conv(h, W, b):
        h = h @ W
        msg = h[src] * norm[:, None]
        agg = jax.ops.segment_sum(msg, dst, num_segments=N)
        return agg + b

    h = gcn_conv(x, W1, b1)
    h = jax.nn.relu(h)
    # F.dropout with training=False is identity (inference mode)
    h = gcn_conv(h, W2, b2)
    return jax.nn.log_softmax(h, axis=1)

if __name__ == "__main__":
    import jax
    _d = setup_inputs()
    print(jax.jit(kernel)(*tuple(_d.values())))

</pallas_src>

<mosaic_0001>
#map = affine_map<(d0, d1) -> (0, 0)>
#map1 = affine_map<(d0, d1) -> (0, 0, 0)>
module attributes {stable_mosaic.version = 14 : i64} {
  func.func @k(%arg0: i32, %arg1: i32, %arg2: memref<10000x128xf32, #tpu.memory_space<hbm>>, %arg3: memref<32x80x128xi32, #tpu.memory_space<hbm>>, %arg4: memref<32x80x128xi32, #tpu.memory_space<hbm>>, %arg5: memref<10240x128xf32, #tpu.memory_space<hbm>>, %arg6: memref<2x10240x128xf32, #tpu.memory_space<hbm>>, %arg7: memref<40x128xi32, #tpu.memory_space<vmem>>, %arg8: memref<40x128xi32, #tpu.memory_space<vmem>>, %arg9: memref<128x128xf32, #tpu.memory_space<vmem>>, %arg10: memref<128x128xf32, #tpu.memory_space<vmem>>, %arg11: memref<10240x128xf32, #tpu.memory_space<vmem_shared>>, %arg12: memref<!tpu.dma_semaphore, #tpu.memory_space<semaphore_mem>>, %arg13: memref<!tpu.dma_semaphore, #tpu.memory_space<semaphore_mem>>) attributes {dimension_semantics = [#tpu.dimension_semantics<core_parallel>, #tpu.dimension_semantics<subcore_parallel>], iteration_bounds = array<i64: 2, 16>, scalar_prefetch = 0 : i64, scratch_operands = 7 : i64, tpu.core_type = #tpu.core_type<sc_vector_subcore>, window_params = [{transform_indices = #map}, {transform_indices = #map1}, {transform_indices = #map1}, {transform_indices = #map}, {transform_indices = #map1}]} {
    %mul3A = arith.constant 2 : i32
    %mul3A_0 = arith.muli %arg1, %mul3A : i32
    %add3A = arith.addi %mul3A_0, %arg0 : i32
    %mul3A_1 = arith.constant 640 : i32
    %mul3A_2 = arith.muli %arg1, %mul3A_1 : i32
    %mul3A_3 = arith.constant 640 : i32
    %mul3A_4 = arith.muli %arg1, %mul3A_3 : i32
    "tpu.region"() ({
      %run_scoped3A = tpu.sem_alloc : memref<!tpu.dma_semaphore, #tpu.memory_space<semaphore_mem>>
      %dma_start3A = arith.constant 0 : i32
      %dma_start3A_14 = tpu.memref_slice %arg11[%mul3A_4, %dma_start3A] : memref<10240x128xf32, #tpu.memory_space<vmem_shared>> -> memref<640x128xf32, #tpu.memory_space<vmem_shared>>
      %dma_start3A_15 = arith.constant 0 : i32
      %dma_start3A_16 = tpu.memref_slice %arg5[%mul3A_2, %dma_start3A_15] : memref<10240x128xf32, #tpu.memory_space<hbm>> -> memref<640x128xf32, #tpu.memory_space<hbm>>
      tpu.enqueue_dma source(%dma_start3A_16 : memref<640x128xf32, #tpu.memory_space<hbm>>) target(%dma_start3A_14 : memref<640x128xf32, #tpu.memory_space<vmem_shared>>) target_semaphore(%run_scoped3A : memref<!tpu.dma_semaphore, #tpu.memory_space<semaphore_mem>>)
      %dma_wait3A = arith.constant 0 : i32
      %dma_wait3A_17 = tpu.memref_slice %arg11[%mul3A_4, %dma_wait3A] : memref<10240x128xf32, #tpu.memory_space<vmem_shared>> -> memref<640x128xf32, #tpu.memory_space<vmem_shared>>
      %dma_wait3A_18 = arith.constant 0 : i32
      %dma_wait3A_19 = tpu.memref_slice %arg5[%mul3A_2, %dma_wait3A_18] : memref<10240x128xf32, #tpu.memory_space<hbm>> -> memref<640x128xf32, #tpu.memory_space<hbm>>
      tpu.wait_dma2 semaphore(%run_scoped3A : memref<!tpu.dma_semaphore, #tpu.memory_space<semaphore_mem>>) src(%dma_wait3A_19 : memref<640x128xf32, #tpu.memory_space<hbm>>) dst(%dma_wait3A_17 : memref<640x128xf32, #tpu.memory_space<vmem_shared>>)
      tpu.yield
    }) : () -> ()
    %barrier3A = arith.constant 0 : index
    tpu.barrier barrier_id(%barrier3A)
    %scan3A = arith.constant 0 : i32
    %scan3A_5 = arith.constant 2 : i32
    %scan3A_6 = arith.addi %scan3A, %scan3A_5 : i32
    %scan3A_7 = arith.constant 1 : i32
    scf.for %scan3A_14 = %scan3A to %scan3A_6 step %scan3A_7  : i32 {
      %mul3A_15 = arith.constant 1 : i32
      %mul3A_16 = arith.muli %scan3A_14, %mul3A_15 : i32
      %add3A_17 = arith.constant 0 : i32
      %add3A_18 = arith.addi %add3A_17, %mul3A_16 : i32
      %mul3A_19 = arith.constant 40 : i32
      %mul3A_20 = arith.muli %add3A_18, %mul3A_19 : i32
      "tpu.region"() ({
        %run_scoped3A = tpu.sem_alloc : memref<!tpu.dma_semaphore, #tpu.memory_space<semaphore_mem>>
        %dma_start3A_34 = arith.constant 0 : i32
        %dma_start3A_35 = tpu.memref_slice %arg3[%add3A, %mul3A_20, %dma_start3A_34] : memref<32x80x128xi32, #tpu.memory_space<hbm>> -> memref<1x40x128xi32, #tpu.memory_space<hbm>>
        %dma_start3A_36 = tpu.memref_squeeze %dma_start3A_35 : memref<1x40x128xi32, #tpu.memory_space<hbm>> -> memref<40x128xi32, #tpu.memory_space<hbm>>
        %dma_start3A_37 = arith.constant 0 : i32
        %dma_start3A_38 = tpu.memref_slice %arg3[%add3A, %mul3A_20, %dma_start3A_37] : memref<32x80x128xi32, #tpu.memory_space<hbm>> -> memref<1x40x128xi32, #tpu.memory_space<hbm>>
        %dma_start3A_39 = tpu.memref_squeeze %dma_start3A_38 : memref<1x40x128xi32, #tpu.memory_space<hbm>> -> memref<40x128xi32, #tpu.memory_space<hbm>>
        tpu.enqueue_dma source(%dma_start3A_39 : memref<40x128xi32, #tpu.memory_space<hbm>>) target(%arg7 : memref<40x128xi32, #tpu.memory_space<vmem>>) target_semaphore(%run_scoped3A : memref<!tpu.dma_semaphore, #tpu.memory_space<semaphore_mem>>)
        %dma_wait3A = arith.constant 0 : i32
        %dma_wait3A_40 = tpu.memref_slice %arg3[%add3A, %mul3A_20, %dma_wait3A] : memref<32x80x128xi32, #tpu.memory_space<hbm>> -> memref<1x40x128xi32, #tpu.memory_space<hbm>>
        %dma_wait3A_41 = tpu.memref_squeeze %dma_wait3A_40 : memref<1x40x128xi32, #tpu.memory_space<hbm>> -> memref<40x128xi32, #tpu.memory_space<hbm>>
        %dma_wait3A_42 = arith.constant 0 : i32
        %dma_wait3A_43 = tpu.memref_slice %arg3[%add3A, %mul3A_20, %dma_wait3A_42] : memref<32x80x128xi32, #tpu.memory_space<hbm>> -> memref<1x40x128xi32, #tpu.memory_space<hbm>>
        %dma_wait3A_44 = tpu.memref_squeeze %dma_wait3A_43 : memref<1x40x128xi32, #tpu.memory_space<hbm>> -> memref<40x128xi32, #tpu.memory_space<hbm>>
        tpu.wait_dma2 semaphore(%run_scoped3A : memref<!tpu.dma_semaphore, #tpu.memory_space<semaphore_mem>>) src(%dma_wait3A_44 : memref<40x128xi32, #tpu.memory_space<hbm>>) dst(%arg7 : memref<40x128xi32, #tpu.memory_space<vmem>>)
        tpu.yield
      }) : () -> ()
      %mul3A_21 = arith.constant 40 : i32
      %mul3A_22 = arith.muli %add3A_18, %mul3A_21 : i32
      "tpu.region"() ({
        %run_scoped3A = tpu.sem_alloc : memref<!tpu.dma_semaphore, #tpu.memory_space<semaphore_mem>>
        %dma_start3A_34 = arith.constant 0 : i32
        %dma_start3A_35 = tpu.memref_slice %arg4[%add3A, %mul3A_22, %dma_start3A_34] : memref<32x80x128xi32, #tpu.memory_space<hbm>> -> memref<1x40x128xi32, #tpu.memory_space<hbm>>
        %dma_start3A_36 = tpu.memref_squeeze %dma_start3A_35 : memref<1x40x128xi32, #tpu.memory_space<hbm>> -> memref<40x128xi32, #tpu.memory_space<hbm>>
        %dma_start3A_37 = arith.constant 0 : i32
        %dma_start3A_38 = tpu.memref_slice %arg4[%add3A, %mul3A_22, %dma_start3A_37] : memref<32x80x128xi32, #tpu.memory_space<hbm>> -> memref<1x40x128xi32, #tpu.memory_space<hbm>>
        %dma_start3A_39 = tpu.memref_squeeze %dma_start3A_38 : memref<1x40x128xi32, #tpu.memory_space<hbm>> -> memref<40x128xi32, #tpu.memory_space<hbm>>
        tpu.enqueue_dma source(%dma_start3A_39 : memref<40x128xi32, #tpu.memory_space<hbm>>) target(%arg8 : memref<40x128xi32, #tpu.memory_space<vmem>>) target_semaphore(%run_scoped3A : memref<!tpu.dma_semaphore, #tpu.memory_space<semaphore_mem>>)
        %dma_wait3A = arith.constant 0 : i32
        %dma_wait3A_40 = tpu.memref_slice %arg4[%add3A, %mul3A_22, %dma_wait3A] : memref<32x80x128xi32, #tpu.memory_space<hbm>> -> memref<1x40x128xi32, #tpu.memory_space<hbm>>
        %dma_wait3A_41 = tpu.memref_squeeze %dma_wait3A_40 : memref<1x40x128xi32, #tpu.memory_space<hbm>> -> memref<40x128xi32, #tpu.memory_space<hbm>>
        %dma_wait3A_42 = arith.constant 0 : i32
        %dma_wait3A_43 = tpu.memref_slice %arg4[%add3A, %mul3A_22, %dma_wait3A_42] : memref<32x80x128xi32, #tpu.memory_space<hbm>> -> memref<1x40x128xi32, #tpu.memory_space<hbm>>
        %dma_wait3A_44 = tpu.memref_squeeze %dma_wait3A_43 : memref<1x40x128xi32, #tpu.memory_space<hbm>> -> memref<40x128xi32, #tpu.memory_space<hbm>>
        tpu.wait_dma2 semaphore(%run_scoped3A : memref<!tpu.dma_semaphore, #tpu.memory_space<semaphore_mem>>) src(%dma_wait3A_44 : memref<40x128xi32, #tpu.memory_space<hbm>>) dst(%arg8 : memref<40x128xi32, #tpu.memory_space<vmem>>)
        tpu.yield
      }) : () -> ()
      %dma_start3A = arith.constant 0 : i32
      %dma_start3A_23 = arith.constant 0 : i32
      %dma_start3A_24 = tpu.memref_slice %arg7[%dma_start3A, %dma_start3A_23] : memref<40x128xi32, #tpu.memory_space<vmem>> -> memref<1x128xi32, #tpu.memory_space<vmem>>
      %dma_start3A_25 = tpu.memref_squeeze %dma_start3A_24 : memref<1x128xi32, #tpu.memory_space<vmem>> -> memref<128xi32, #tpu.memory_space<vmem>>
      %dma_start3A_26 = arith.constant 0 : i32
      %dma_start3A_27 = arith.constant 0 : i32
      %dma_start3A_28 = tpu.memref_slice %arg2[%dma_start3A_26, %dma_start3A_27] : memref<10000x128xf32, #tpu.memory_space<hbm>> -> memref<10000x128xf32, #tpu.memory_space<hbm>>
      tpu.enqueue_indirect_dma source(%dma_start3A_28 : memref<10000x128xf32, #tpu.memory_space<hbm>>) target(%arg9 : memref<128x128xf32, #tpu.memory_space<vmem>>) offsets(%dma_start3A_25 : memref<128xi32, #tpu.memory_space<vmem>>) semaphore(%arg12 : memref<!tpu.dma_semaphore, #tpu.memory_space<semaphore_mem>>)
      %scan3A_29 = arith.constant 0 : i32
      %scan3A_30 = arith.constant 20 : i32
      %scan3A_31 = arith.addi %scan3A_29, %scan3A_30 : i32
      %scan3A_32 = arith.constant 1 : i32
      scf.for %scan3A_34 = %scan3A_29 to %scan3A_31 step %scan3A_32  : i32 {
        %mul3A_35 = arith.constant 2 : i32
        %mul3A_36 = arith.muli %scan3A_34, %mul3A_35 : i32
        %add3A_37 = arith.constant 0 : i32
        %add3A_38 = arith.addi %add3A_37, %mul3A_36 : i32
        %add3A_39 = arith.constant 1 : i32
        %add3A_40 = arith.addi %add3A_38, %add3A_39 : i32
        %dma_start3A_41 = arith.constant 0 : i32
        %dma_start3A_42 = tpu.memref_slice %arg7[%add3A_40, %dma_start3A_41] : memref<40x128xi32, #tpu.memory_space<vmem>> -> memref<1x128xi32, #tpu.memory_space<vmem>>
        %dma_start3A_43 = tpu.memref_squeeze %dma_start3A_42 : memref<1x128xi32, #tpu.memory_space<vmem>> -> memref<128xi32, #tpu.memory_space<vmem>>
        %dma_start3A_44 = arith.constant 0 : i32
        %dma_start3A_45 = arith.constant 0 : i32
        %dma_start3A_46 = tpu.memref_slice %arg2[%dma_start3A_44, %dma_start3A_45] : memref<10000x128xf32, #tpu.memory_space<hbm>> -> memref<10000x128xf32, #tpu.memory_space<hbm>>
        tpu.enqueue_indirect_dma source(%dma_start3A_46 : memref<10000x128xf32, #tpu.memory_space<hbm>>) target(%arg10 : memref<128x128xf32, #tpu.memory_space<vmem>>) offsets(%dma_start3A_43 : memref<128xi32, #tpu.memory_space<vmem>>) semaphore(%arg13 : memref<!tpu.dma_semaphore, #tpu.memory_space<semaphore_mem>>)
        %dma_wait3A = arith.constant 0 : i32
        %dma_wait3A_47 = tpu.memref_slice %arg7[%add3A_38, %dma_wait3A] : memref<40x128xi32, #tpu.memory_space<vmem>> -> memref<1x128xi32, #tpu.memory_space<vmem>>
        %dma_wait3A_48 = tpu.memref_squeeze %dma_wait3A_47 : memref<1x128xi32, #tpu.memory_space<vmem>> -> memref<128xi32, #tpu.memory_space<vmem>>
        %dma_wait3A_49 = arith.constant 0 : i32
        %dma_wait3A_50 = arith.constant 0 : i32
        %dma_wait3A_51 = tpu.memref_slice %arg2[%dma_wait3A_49, %dma_wait3A_50] : memref<10000x128xf32, #tpu.memory_space<hbm>> -> memref<10000x128xf32, #tpu.memory_space<hbm>>
        tpu.wait_indirect_dma semaphore(%arg12 : memref<!tpu.dma_semaphore, #tpu.memory_space<semaphore_mem>>) src(%dma_wait3A_51 : memref<10000x128xf32, #tpu.memory_space<hbm>>) dst(%arg9 : memref<128x128xf32, #tpu.memory_space<vmem>>)
        "tpu.region"() ({
          %run_scoped3A = tpu.sem_alloc : memref<!tpu.dma_semaphore, #tpu.memory_space<semaphore_mem>>
          %dma_start3A_66 = arith.constant 0 : i32
          %dma_start3A_67 = tpu.memref_slice %arg8[%add3A_38, %dma_start3A_66] : memref<40x128xi32, #tpu.memory_space<vmem>> -> memref<1x128xi32, #tpu.memory_space<vmem>>
          %dma_start3A_68 = tpu.memref_squeeze %dma_start3A_67 : memref<1x128xi32, #tpu.memory_space<vmem>> -> memref<128xi32, #tpu.memory_space<vmem>>
          %dma_start3A_69 = arith.constant 0 : i32
          %dma_start3A_70 = arith.constant 0 : i32
          %dma_start3A_71 = tpu.memref_slice %arg11[%dma_start3A_69, %dma_start3A_70] : memref<10240x128xf32, #tpu.memory_space<vmem_shared>> -> memref<10240x128xf32, #tpu.memory_space<vmem_shared>>
          tpu.enqueue_indirect_dma source(%arg9 : memref<128x128xf32, #tpu.memory_space<vmem>>) target(%dma_start3A_71 : memref<10240x128xf32, #tpu.memory_space<vmem_shared>>) offsets(%dma_start3A_68 : memref<128xi32, #tpu.memory_space<vmem>>) semaphore(%run_scoped3A : memref<!tpu.dma_semaphore, #tpu.memory_space<semaphore_mem>>) {add = true}
          %dma_wait3A_72 = arith.constant 0 : i32
          %dma_wait3A_73 = tpu.memref_slice %arg8[%add3A_38, %dma_wait3A_72] : memref<40x128xi32, #tpu.memory_space<vmem>> -> memref<1x128xi32, #tpu.memory_space<vmem>>
          %dma_wait3A_74 = tpu.memref_squeeze %dma_wait3A_73 : memref<1x128xi32, #tpu.memory_space<vmem>> -> memref<128xi32, #tpu.memory_space<vmem>>
          %dma_wait3A_75 = arith.constant 0 : i32
          %dma_wait3A_76 = arith.constant 0 : i32
          %dma_wait3A_77 = tpu.memref_slice %arg11[%dma_wait3A_75, %dma_wait3A_76] : memref<10240x128xf32, #tpu.memory_space<vmem_shared>> -> memref<10240x128xf32, #tpu.memory_space<vmem_shared>>
          tpu.wait_indirect_dma semaphore(%run_scoped3A : memref<!tpu.dma_semaphore, #tpu.memory_space<semaphore_mem>>) src(%arg9 : memref<128x128xf32, #tpu.memory_space<vmem>>) dst(%dma_wait3A_77 : memref<10240x128xf32, #tpu.memory_space<vmem_shared>>)
          tpu.yield
        }) : () -> ()
        %add3A_52 = arith.constant 2 : i32
        %add3A_53 = arith.addi %add3A_38, %add3A_52 : i32
        %lt3A = arith.constant 40 : i32
        %lt3A_54 = arith.cmpi slt, %add3A_53, %lt3A : i32
        %convert_element_type3A = arith.extui %lt3A_54 : i1 to i32
        %cond3A = arith.constant 0 : i32
        %cond3A_55 = arith.cmpi ne, %convert_element_type3A, %cond3A : i32
        scf.if %cond3A_55 {
          %add3A_66 = arith.constant 2 : i32
          %add3A_67 = arith.addi %add3A_38, %add3A_66 : i32
          %dma_start3A_68 = arith.constant 0 : i32
          %dma_start3A_69 = tpu.memref_slice %arg7[%add3A_67, %dma_start3A_68] : memref<40x128xi32, #tpu.memory_space<vmem>> -> memref<1x128xi32, #tpu.memory_space<vmem>>
          %dma_start3A_70 = tpu.memref_squeeze %dma_start3A_69 : memref<1x128xi32, #tpu.memory_space<vmem>> -> memref<128xi32, #tpu.memory_space<vmem>>
          %dma_start3A_71 = arith.constant 0 : i32
          %dma_start3A_72 = arith.constant 0 : i32
          %dma_start3A_73 = tpu.memref_slice %arg2[%dma_start3A_71, %dma_start3A_72] : memref<10000x128xf32, #tpu.memory_space<hbm>> -> memref<10000x128xf32, #tpu.memory_space<hbm>>
          tpu.enqueue_indirect_dma source(%dma_start3A_73 : memref<10000x128xf32, #tpu.memory_space<hbm>>) target(%arg9 : memref<128x128xf32, #tpu.memory_space<vmem>>) offsets(%dma_start3A_70 : memref<128xi32, #tpu.memory_space<vmem>>) semaphore(%arg12 : memref<!tpu.dma_semaphore, #tpu.memory_space<semaphore_mem>>)
        } else {
        }
        %add3A_56 = arith.constant 1 : i32
        %add3A_57 = arith.addi %add3A_38, %add3A_56 : i32
        %dma_wait3A_58 = arith.constant 0 : i32
        %dma_wait3A_59 = tpu.memref_slice %arg7[%add3A_57, %dma_wait3A_58] : memref<40x128xi32, #tpu.memory_space<vmem>> -> memref<1x128xi32, #tpu.memory_space<vmem>>
        %dma_wait3A_60 = tpu.memref_squeeze %dma_wait3A_59 : memref<1x128xi32, #tpu.memory_space<vmem>> -> memref<128xi32, #tpu.memory_space<vmem>>
        %dma_wait3A_61 = arith.constant 0 : i32
        %dma_wait3A_62 = arith.constant 0 : i32
        %dma_wait3A_63 = tpu.memref_slice %arg2[%dma_wait3A_61, %dma_wait3A_62] : memref<10000x128xf32, #tpu.memory_space<hbm>> -> memref<10000x128xf32, #tpu.memory_space<hbm>>
        tpu.wait_indirect_dma semaphore(%arg13 : memref<!tpu.dma_semaphore, #tpu.memory_space<semaphore_mem>>) src(%dma_wait3A_63 : memref<10000x128xf32, #tpu.memory_space<hbm>>) dst(%arg10 : memref<128x128xf32, #tpu.memory_space<vmem>>)
        %add3A_64 = arith.constant 1 : i32
        %add3A_65 = arith.addi %add3A_38, %add3A_64 : i32
        "tpu.region"() ({
          %run_scoped3A = tpu.sem_alloc : memref<!tpu.dma_semaphore, #tpu.memory_space<semaphore_mem>>
          %dma_start3A_66 = arith.constant 0 : i32
          %dma_start3A_67 = tpu.memref_slice %arg8[%add3A_65, %dma_start3A_66] : memref<40x128xi32, #tpu.memory_space<vmem>> -> memref<1x128xi32, #tpu.memory_space<vmem>>
          %dma_start3A_68 = tpu.memref_squeeze %dma_start3A_67 : memref<1x128xi32, #tpu.memory_space<vmem>> -> memref<128xi32, #tpu.memory_space<vmem>>
          %dma_start3A_69 = arith.constant 0 : i32
          %dma_start3A_70 = arith.constant 0 : i32
          %dma_start3A_71 = tpu.memref_slice %arg11[%dma_start3A_69, %dma_start3A_70] : memref<10240x128xf32, #tpu.memory_space<vmem_shared>> -> memref<10240x128xf32, #tpu.memory_space<vmem_shared>>
          tpu.enqueue_indirect_dma source(%arg10 : memref<128x128xf32, #tpu.memory_space<vmem>>) target(%dma_start3A_71 : memref<10240x128xf32, #tpu.memory_space<vmem_shared>>) offsets(%dma_start3A_68 : memref<128xi32, #tpu.memory_space<vmem>>) semaphore(%run_scoped3A : memref<!tpu.dma_semaphore, #tpu.memory_space<semaphore_mem>>) {add = true}
          %dma_wait3A_72 = arith.constant 0 : i32
          %dma_wait3A_73 = tpu.memref_slice %arg8[%add3A_65, %dma_wait3A_72] : memref<40x128xi32, #tpu.memory_space<vmem>> -> memref<1x128xi32, #tpu.memory_space<vmem>>
          %dma_wait3A_74 = tpu.memref_squeeze %dma_wait3A_73 : memref<1x128xi32, #tpu.memory_space<vmem>> -> memref<128xi32, #tpu.memory_space<vmem>>
          %dma_wait3A_75 = arith.constant 0 : i32
          %dma_wait3A_76 = arith.constant 0 : i32
          %dma_wait3A_77 = tpu.memref_slice %arg11[%dma_wait3A_75, %dma_wait3A_76] : memref<10240x128xf32, #tpu.memory_space<vmem_shared>> -> memref<10240x128xf32, #tpu.memory_space<vmem_shared>>
          tpu.wait_indirect_dma semaphore(%run_scoped3A : memref<!tpu.dma_semaphore, #tpu.memory_space<semaphore_mem>>) src(%arg10 : memref<128x128xf32, #tpu.memory_space<vmem>>) dst(%dma_wait3A_77 : memref<10240x128xf32, #tpu.memory_space<vmem_shared>>)
          tpu.yield
        }) : () -> ()
      }
      %scan3A_33 = arith.constant 20 : i32
    }
    %scan3A_8 = arith.constant 2 : i32
    %barrier3A_9 = arith.constant 0 : index
    tpu.barrier barrier_id(%barrier3A_9)
    %mul3A_10 = arith.constant 640 : i32
    %mul3A_11 = arith.muli %arg1, %mul3A_10 : i32
    %mul3A_12 = arith.constant 640 : i32
    %mul3A_13 = arith.muli %arg1, %mul3A_12 : i32
    "tpu.region"() ({
      %run_scoped3A = tpu.sem_alloc : memref<!tpu.dma_semaphore, #tpu.memory_space<semaphore_mem>>
      %dma_start3A = arith.constant 0 : i32
      %dma_start3A_14 = tpu.memref_slice %arg6[%arg0, %mul3A_13, %dma_start3A] : memref<2x10240x128xf32, #tpu.memory_space<hbm>> -> memref<1x640x128xf32, #tpu.memory_space<hbm>>
      %dma_start3A_15 = tpu.memref_squeeze %dma_start3A_14 : memref<1x640x128xf32, #tpu.memory_space<hbm>> -> memref<640x128xf32, #tpu.memory_space<hbm>>
      %dma_start3A_16 = arith.constant 0 : i32
      %dma_start3A_17 = tpu.memref_slice %arg11[%mul3A_11, %dma_start3A_16] : memref<10240x128xf32, #tpu.memory_space<vmem_shared>> -> memref<640x128xf32, #tpu.memory_space<vmem_shared>>
      tpu.enqueue_dma source(%dma_start3A_17 : memref<640x128xf32, #tpu.memory_space<vmem_shared>>) target(%dma_start3A_15 : memref<640x128xf32, #tpu.memory_space<hbm>>) target_semaphore(%run_scoped3A : memref<!tpu.dma_semaphore, #tpu.memory_space<semaphore_mem>>)
      %dma_wait3A = arith.constant 0 : i32
      %dma_wait3A_18 = tpu.memref_slice %arg6[%arg0, %mul3A_13, %dma_wait3A] : memref<2x10240x128xf32, #tpu.memory_space<hbm>> -> memref<1x640x128xf32, #tpu.memory_space<hbm>>
      %dma_wait3A_19 = tpu.memref_squeeze %dma_wait3A_18 : memref<1x640x128xf32, #tpu.memory_space<hbm>> -> memref<640x128xf32, #tpu.memory_space<hbm>>
      %dma_wait3A_20 = arith.constant 0 : i32
      %dma_wait3A_21 = tpu.memref_slice %arg11[%mul3A_11, %dma_wait3A_20] : memref<10240x128xf32, #tpu.memory_space<vmem_shared>> -> memref<640x128xf32, #tpu.memory_space<vmem_shared>>
      tpu.wait_dma2 semaphore(%run_scoped3A : memref<!tpu.dma_semaphore, #tpu.memory_space<semaphore_mem>>) src(%dma_wait3A_21 : memref<640x128xf32, #tpu.memory_space<vmem_shared>>) dst(%dma_wait3A_19 : memref<640x128xf32, #tpu.memory_space<hbm>>)
      tpu.yield
    }) : () -> ()
    return
  }
}

#map = affine_map<(d0, d1) -> (0, 0)>
#map1 = affine_map<(d0, d1) -> (0, 0, 0)>
module attributes {stable_mosaic.version = 14 : i64} {
  func.func @k(%arg0: i32, %arg1: i32, %arg2: memref<10000x128xf32, #tpu.memory_space<hbm>>, %arg3: memref<32x80x128xi32, #tpu.memory_space<hbm>>, %arg4: memref<32x80x128xi32, #tpu.memory_space<hbm>>, %arg5: memref<10240x128xf32, #tpu.memory_space<hbm>>, %arg6: memref<2x10240x128xf32, #tpu.memory_space<hbm>>, %arg7: memref<40x128xi32, #tpu.memory_space<vmem>>, %arg8: memref<40x128xi32, #tpu.memory_space<vmem>>, %arg9: memref<128x128xf32, #tpu.memory_space<vmem>>, %arg10: memref<128x128xf32, #tpu.memory_space<vmem>>, %arg11: memref<10240x128xf32, #tpu.memory_space<vmem_shared>>, %arg12: memref<!tpu.dma_semaphore, #tpu.memory_space<semaphore_mem>>, %arg13: memref<!tpu.dma_semaphore, #tpu.memory_space<semaphore_mem>>) attributes {dimension_semantics = [#tpu.dimension_semantics<core_parallel>, #tpu.dimension_semantics<subcore_parallel>], iteration_bounds = array<i64: 2, 16>, scalar_prefetch = 0 : i64, scratch_operands = 7 : i64, tpu.core_type = #tpu.core_type<sc_vector_subcore>, window_params = [{transform_indices = #map}, {transform_indices = #map1}, {transform_indices = #map1}, {transform_indices = #map}, {transform_indices = #map1}]} {
    %mul3A = arith.constant 2 : i32
    %mul3A_0 = arith.muli %arg1, %mul3A : i32
    %add3A = arith.addi %mul3A_0, %arg0 : i32
    %mul3A_1 = arith.constant 640 : i32
    %mul3A_2 = arith.muli %arg1, %mul3A_1 : i32
    %mul3A_3 = arith.constant 640 : i32
    %mul3A_4 = arith.muli %arg1, %mul3A_3 : i32
    "tpu.region"() ({
      %run_scoped3A = tpu.sem_alloc : memref<!tpu.dma_semaphore, #tpu.memory_space<semaphore_mem>>
      %dma_start3A = arith.constant 0 : i32
      %dma_start3A_14 = tpu.memref_slice %arg11[%mul3A_4, %dma_start3A] : memref<10240x128xf32, #tpu.memory_space<vmem_shared>> -> memref<640x128xf32, #tpu.memory_space<vmem_shared>>
      %dma_start3A_15 = arith.constant 0 : i32
      %dma_start3A_16 = tpu.memref_slice %arg5[%mul3A_2, %dma_start3A_15] : memref<10240x128xf32, #tpu.memory_space<hbm>> -> memref<640x128xf32, #tpu.memory_space<hbm>>
      tpu.enqueue_dma source(%dma_start3A_16 : memref<640x128xf32, #tpu.memory_space<hbm>>) target(%dma_start3A_14 : memref<640x128xf32, #tpu.memory_space<vmem_shared>>) target_semaphore(%run_scoped3A : memref<!tpu.dma_semaphore, #tpu.memory_space<semaphore_mem>>)
      %dma_wait3A = arith.constant 0 : i32
      %dma_wait3A_17 = tpu.memref_slice %arg11[%mul3A_4, %dma_wait3A] : memref<10240x128xf32, #tpu.memory_space<vmem_shared>> -> memref<640x128xf32, #tpu.memory_space<vmem_shared>>
      %dma_wait3A_18 = arith.constant 0 : i32
      %dma_wait3A_19 = tpu.memref_slice %arg5[%mul3A_2, %dma_wait3A_18] : memref<10240x128xf32, #tpu.memory_space<hbm>> -> memref<640x128xf32, #tpu.memory_space<hbm>>
      tpu.wait_dma2 semaphore(%run_scoped3A : memref<!tpu.dma_semaphore, #tpu.memory_space<semaphore_mem>>) src(%dma_wait3A_19 : memref<640x128xf32, #tpu.memory_space<hbm>>) dst(%dma_wait3A_17 : memref<640x128xf32, #tpu.memory_space<vmem_shared>>)
      tpu.yield
    }) : () -> ()
    %barrier3A = arith.constant 0 : index
    tpu.barrier barrier_id(%barrier3A)
    %scan3A = arith.constant 0 : i32
    %scan3A_5 = arith.constant 2 : i32
    %scan3A_6 = arith.addi %scan3A, %scan3A_5 : i32
    %scan3A_7 = arith.constant 1 : i32
    scf.for %scan3A_14 = %scan3A to %scan3A_6 step %scan3A_7  : i32 {
      %mul3A_15 = arith.constant 1 : i32
      %mul3A_16 = arith.muli %scan3A_14, %mul3A_15 : i32
      %add3A_17 = arith.constant 0 : i32
      %add3A_18 = arith.addi %add3A_17, %mul3A_16 : i32
      %mul3A_19 = arith.constant 40 : i32
      %mul3A_20 = arith.muli %add3A_18, %mul3A_19 : i32
      "tpu.region"() ({
        %run_scoped3A = tpu.sem_alloc : memref<!tpu.dma_semaphore, #tpu.memory_space<semaphore_mem>>
        %dma_start3A_34 = arith.constant 0 : i32
        %dma_start3A_35 = tpu.memref_slice %arg3[%add3A, %mul3A_20, %dma_start3A_34] : memref<32x80x128xi32, #tpu.memory_space<hbm>> -> memref<1x40x128xi32, #tpu.memory_space<hbm>>
        %dma_start3A_36 = tpu.memref_squeeze %dma_start3A_35 : memref<1x40x128xi32, #tpu.memory_space<hbm>> -> memref<40x128xi32, #tpu.memory_space<hbm>>
        %dma_start3A_37 = arith.constant 0 : i32
        %dma_start3A_38 = tpu.memref_slice %arg3[%add3A, %mul3A_20, %dma_start3A_37] : memref<32x80x128xi32, #tpu.memory_space<hbm>> -> memref<1x40x128xi32, #tpu.memory_space<hbm>>
        %dma_start3A_39 = tpu.memref_squeeze %dma_start3A_38 : memref<1x40x128xi32, #tpu.memory_space<hbm>> -> memref<40x128xi32, #tpu.memory_space<hbm>>
        tpu.enqueue_dma source(%dma_start3A_39 : memref<40x128xi32, #tpu.memory_space<hbm>>) target(%arg7 : memref<40x128xi32, #tpu.memory_space<vmem>>) target_semaphore(%run_scoped3A : memref<!tpu.dma_semaphore, #tpu.memory_space<semaphore_mem>>)
        %dma_wait3A = arith.constant 0 : i32
        %dma_wait3A_40 = tpu.memref_slice %arg3[%add3A, %mul3A_20, %dma_wait3A] : memref<32x80x128xi32, #tpu.memory_space<hbm>> -> memref<1x40x128xi32, #tpu.memory_space<hbm>>
        %dma_wait3A_41 = tpu.memref_squeeze %dma_wait3A_40 : memref<1x40x128xi32, #tpu.memory_space<hbm>> -> memref<40x128xi32, #tpu.memory_space<hbm>>
        %dma_wait3A_42 = arith.constant 0 : i32
        %dma_wait3A_43 = tpu.memref_slice %arg3[%add3A, %mul3A_20, %dma_wait3A_42] : memref<32x80x128xi32, #tpu.memory_space<hbm>> -> memref<1x40x128xi32, #tpu.memory_space<hbm>>
        %dma_wait3A_44 = tpu.memref_squeeze %dma_wait3A_43 : memref<1x40x128xi32, #tpu.memory_space<hbm>> -> memref<40x128xi32, #tpu.memory_space<hbm>>
        tpu.wait_dma2 semaphore(%run_scoped3A : memref<!tpu.dma_semaphore, #tpu.memory_space<semaphore_mem>>) src(%dma_wait3A_44 : memref<40x128xi32, #tpu.memory_space<hbm>>) dst(%arg7 : memref<40x128xi32, #tpu.memory_space<vmem>>)
        tpu.yield
      }) : () -> ()
      %mul3A_21 = arith.constant 40 : i32
      %mul3A_22 = arith.muli %add3A_18, %mul3A_21 : i32
      "tpu.region"() ({
        %run_scoped3A = tpu.sem_alloc : memref<!tpu.dma_semaphore, #tpu.memory_space<semaphore_mem>>
        %dma_start3A_34 = arith.constant 0 : i32
        %dma_start3A_35 = tpu.memref_slice %arg4[%add3A, %mul3A_22, %dma_start3A_34] : memref<32x80x128xi32, #tpu.memory_space<hbm>> -> memref<1x40x128xi32, #tpu.memory_space<hbm>>
        %dma_start3A_36 = tpu.memref_squeeze %dma_start3A_35 : memref<1x40x128xi32, #tpu.memory_space<hbm>> -> memref<40x128xi32, #tpu.memory_space<hbm>>
        %dma_start3A_37 = arith.constant 0 : i32
        %dma_start3A_38 = tpu.memref_slice %arg4[%add3A, %mul3A_22, %dma_start3A_37] : memref<32x80x128xi32, #tpu.memory_space<hbm>> -> memref<1x40x128xi32, #tpu.memory_space<hbm>>
        %dma_start3A_39 = tpu.memref_squeeze %dma_start3A_38 : memref<1x40x128xi32, #tpu.memory_space<hbm>> -> memref<40x128xi32, #tpu.memory_space<hbm>>
        tpu.enqueue_dma source(%dma_start3A_39 : memref<40x128xi32, #tpu.memory_space<hbm>>) target(%arg8 : memref<40x128xi32, #tpu.memory_space<vmem>>) target_semaphore(%run_scoped3A : memref<!tpu.dma_semaphore, #tpu.memory_space<semaphore_mem>>)
        %dma_wait3A = arith.constant 0 : i32
        %dma_wait3A_40 = tpu.memref_slice %arg4[%add3A, %mul3A_22, %dma_wait3A] : memref<32x80x128xi32, #tpu.memory_space<hbm>> -> memref<1x40x128xi32, #tpu.memory_space<hbm>>
        %dma_wait3A_41 = tpu.memref_squeeze %dma_wait3A_40 : memref<1x40x128xi32, #tpu.memory_space<hbm>> -> memref<40x128xi32, #tpu.memory_space<hbm>>
        %dma_wait3A_42 = arith.constant 0 : i32
        %dma_wait3A_43 = tpu.memref_slice %arg4[%add3A, %mul3A_22, %dma_wait3A_42] : memref<32x80x128xi32, #tpu.memory_space<hbm>> -> memref<1x40x128xi32, #tpu.memory_space<hbm>>
        %dma_wait3A_44 = tpu.memref_squeeze %dma_wait3A_43 : memref<1x40x128xi32, #tpu.memory_space<hbm>> -> memref<40x128xi32, #tpu.memory_space<hbm>>
        tpu.wait_dma2 semaphore(%run_scoped3A : memref<!tpu.dma_semaphore, #tpu.memory_space<semaphore_mem>>) src(%dma_wait3A_44 : memref<40x128xi32, #tpu.memory_space<hbm>>) dst(%arg8 : memref<40x128xi32, #tpu.memory_space<vmem>>)
        tpu.yield
      }) : () -> ()
      %dma_start3A = arith.constant 0 : i32
      %dma_start3A_23 = arith.constant 0 : i32
      %dma_start3A_24 = tpu.memref_slice %arg7[%dma_start3A, %dma_start3A_23] : memref<40x128xi32, #tpu.memory_space<vmem>> -> memref<1x128xi32, #tpu.memory_space<vmem>>
      %dma_start3A_25 = tpu.memref_squeeze %dma_start3A_24 : memref<1x128xi32, #tpu.memory_space<vmem>> -> memref<128xi32, #tpu.memory_space<vmem>>
      %dma_start3A_26 = arith.constant 0 : i32
      %dma_start3A_27 = arith.constant 0 : i32
      %dma_start3A_28 = tpu.memref_slice %arg2[%dma_start3A_26, %dma_start3A_27] : memref<10000x128xf32, #tpu.memory_space<hbm>> -> memref<10000x128xf32, #tpu.memory_space<hbm>>
      tpu.enqueue_indirect_dma source(%dma_start3A_28 : memref<10000x128xf32, #tpu.memory_space<hbm>>) target(%arg9 : memref<128x128xf32, #tpu.memory_space<vmem>>) offsets(%dma_start3A_25 : memref<128xi32, #tpu.memory_space<vmem>>) semaphore(%arg12 : memref<!tpu.dma_semaphore, #tpu.memory_space<semaphore_mem>>)
      %scan3A_29 = arith.constant 0 : i32
      %scan3A_30 = arith.constant 20 : i32
      %scan3A_31 = arith.addi %scan3A_29, %scan3A_30 : i32
      %scan3A_32 = arith.constant 1 : i32
      scf.for %scan3A_34 = %scan3A_29 to %scan3A_31 step %scan3A_32  : i32 {
        %mul3A_35 = arith.constant 2 : i32
        %mul3A_36 = arith.muli %scan3A_34, %mul3A_35 : i32
        %add3A_37 = arith.constant 0 : i32
        %add3A_38 = arith.addi %add3A_37, %mul3A_36 : i32
        %add3A_39 = arith.constant 1 : i32
        %add3A_40 = arith.addi %add3A_38, %add3A_39 : i32
        %dma_start3A_41 = arith.constant 0 : i32
        %dma_start3A_42 = tpu.memref_slice %arg7[%add3A_40, %dma_start3A_41] : memref<40x128xi32, #tpu.memory_space<vmem>> -> memref<1x128xi32, #tpu.memory_space<vmem>>
        %dma_start3A_43 = tpu.memref_squeeze %dma_start3A_42 : memref<1x128xi32, #tpu.memory_space<vmem>> -> memref<128xi32, #tpu.memory_space<vmem>>
        %dma_start3A_44 = arith.constant 0 : i32
        %dma_start3A_45 = arith.constant 0 : i32
        %dma_start3A_46 = tpu.memref_slice %arg2[%dma_start3A_44, %dma_start3A_45] : memref<10000x128xf32, #tpu.memory_space<hbm>> -> memref<10000x128xf32, #tpu.memory_space<hbm>>
        tpu.enqueue_indirect_dma source(%dma_start3A_46 : memref<10000x128xf32, #tpu.memory_space<hbm>>) target(%arg10 : memref<128x128xf32, #tpu.memory_space<vmem>>) offsets(%dma_start3A_43 : memref<128xi32, #tpu.memory_space<vmem>>) semaphore(%arg13 : memref<!tpu.dma_semaphore, #tpu.memory_space<semaphore_mem>>)
        %dma_wait3A = arith.constant 0 : i32
        %dma_wait3A_47 = tpu.memref_slice %arg7[%add3A_38, %dma_wait3A] : memref<40x128xi32, #tpu.memory_space<vmem>> -> memref<1x128xi32, #tpu.memory_space<vmem>>
        %dma_wait3A_48 = tpu.memref_squeeze %dma_wait3A_47 : memref<1x128xi32, #tpu.memory_space<vmem>> -> memref<128xi32, #tpu.memory_space<vmem>>
        %dma_wait3A_49 = arith.constant 0 : i32
        %dma_wait3A_50 = arith.constant 0 : i32
        %dma_wait3A_51 = tpu.memref_slice %arg2[%dma_wait3A_49, %dma_wait3A_50] : memref<10000x128xf32, #tpu.memory_space<hbm>> -> memref<10000x128xf32, #tpu.memory_space<hbm>>
        tpu.wait_indirect_dma semaphore(%arg12 : memref<!tpu.dma_semaphore, #tpu.memory_space<semaphore_mem>>) src(%dma_wait3A_51 : memref<10000x128xf32, #tpu.memory_space<hbm>>) dst(%arg9 : memref<128x128xf32, #tpu.memory_space<vmem>>)
        "tpu.region"() ({
          %run_scoped3A = tpu.sem_alloc : memref<!tpu.dma_semaphore, #tpu.memory_space<semaphore_mem>>
          %dma_start3A_66 = arith.constant 0 : i32
          %dma_start3A_67 = tpu.memref_slice %arg8[%add3A_38, %dma_start3A_66] : memref<40x128xi32, #tpu.memory_space<vmem>> -> memref<1x128xi32, #tpu.memory_space<vmem>>
          %dma_start3A_68 = tpu.memref_squeeze %dma_start3A_67 : memref<1x128xi32, #tpu.memory_space<vmem>> -> memref<128xi32, #tpu.memory_space<vmem>>
          %dma_start3A_69 = arith.constant 0 : i32
          %dma_start3A_70 = arith.constant 0 : i32
          %dma_start3A_71 = tpu.memref_slice %arg11[%dma_start3A_69, %dma_start3A_70] : memref<10240x128xf32, #tpu.memory_space<vmem_shared>> -> memref<10240x128xf32, #tpu.memory_space<vmem_shared>>
          tpu.enqueue_indirect_dma source(%arg9 : memref<128x128xf32, #tpu.memory_space<vmem>>) target(%dma_start3A_71 : memref<10240x128xf32, #tpu.memory_space<vmem_shared>>) offsets(%dma_start3A_68 : memref<128xi32, #tpu.memory_space<vmem>>) semaphore(%run_scoped3A : memref<!tpu.dma_semaphore, #tpu.memory_space<semaphore_mem>>) {add = true}
          %dma_wait3A_72 = arith.constant 0 : i32
          %dma_wait3A_73 = tpu.memref_slice %arg8[%add3A_38, %dma_wait3A_72] : memref<40x128xi32, #tpu.memory_space<vmem>> -> memref<1x128xi32, #tpu.memory_space<vmem>>
          %dma_wait3A_74 = tpu.memref_squeeze %dma_wait3A_73 : memref<1x128xi32, #tpu.memory_space<vmem>> -> memref<128xi32, #tpu.memory_space<vmem>>
          %dma_wait3A_75 = arith.constant 0 : i32
          %dma_wait3A_76 = arith.constant 0 : i32
          %dma_wait3A_77 = tpu.memref_slice %arg11[%dma_wait3A_75, %dma_wait3A_76] : memref<10240x128xf32, #tpu.memory_space<vmem_shared>> -> memref<10240x128xf32, #tpu.memory_space<vmem_shared>>
          tpu.wait_indirect_dma semaphore(%run_scoped3A : memref<!tpu.dma_semaphore, #tpu.memory_space<semaphore_mem>>) src(%arg9 : memref<128x128xf32, #tpu.memory_space<vmem>>) dst(%dma_wait3A_77 : memref<10240x128xf32, #tpu.memory_space<vmem_shared>>)
          tpu.yield
        }) : () -> ()
        %add3A_52 = arith.constant 2 : i32
        %add3A_53 = arith.addi %add3A_38, %add3A_52 : i32
        %lt3A = arith.constant 40 : i32
        %lt3A_54 = arith.cmpi slt, %add3A_53, %lt3A : i32
        %convert_element_type3A = arith.extui %lt3A_54 : i1 to i32
        %cond3A = arith.constant 0 : i32
        %cond3A_55 = arith.cmpi ne, %convert_element_type3A, %cond3A : i32
        scf.if %cond3A_55 {
          %add3A_66 = arith.constant 2 : i32
          %add3A_67 = arith.addi %add3A_38, %add3A_66 : i32
          %dma_start3A_68 = arith.constant 0 : i32
          %dma_start3A_69 = tpu.memref_slice %arg7[%add3A_67, %dma_start3A_68] : memref<40x128xi32, #tpu.memory_space<vmem>> -> memref<1x128xi32, #tpu.memory_space<vmem>>
          %dma_start3A_70 = tpu.memref_squeeze %dma_start3A_69 : memref<1x128xi32, #tpu.memory_space<vmem>> -> memref<128xi32, #tpu.memory_space<vmem>>
          %dma_start3A_71 = arith.constant 0 : i32
          %dma_start3A_72 = arith.constant 0 : i32
          %dma_start3A_73 = tpu.memref_slice %arg2[%dma_start3A_71, %dma_start3A_72] : memref<10000x128xf32, #tpu.memory_space<hbm>> -> memref<10000x128xf32, #tpu.memory_space<hbm>>
          tpu.enqueue_indirect_dma source(%dma_start3A_73 : memref<10000x128xf32, #tpu.memory_space<hbm>>) target(%arg9 : memref<128x128xf32, #tpu.memory_space<vmem>>) offsets(%dma_start3A_70 : memref<128xi32, #tpu.memory_space<vmem>>) semaphore(%arg12 : memref<!tpu.dma_semaphore, #tpu.memory_space<semaphore_mem>>)
        } else {
        }
        %add3A_56 = arith.constant 1 : i32
        %add3A_57 = arith.addi %add3A_38, %add3A_56 : i32
        %dma_wait3A_58 = arith.constant 0 : i32
        %dma_wait3A_59 = tpu.memref_slice %arg7[%add3A_57, %dma_wait3A_58] : memref<40x128xi32, #tpu.memory_space<vmem>> -> memref<1x128xi32, #tpu.memory_space<vmem>>
        %dma_wait3A_60 = tpu.memref_squeeze %dma_wait3A_59 : memref<1x128xi32, #tpu.memory_space<vmem>> -> memref<128xi32, #tpu.memory_space<vmem>>
        %dma_wait3A_61 = arith.constant 0 : i32
        %dma_wait3A_62 = arith.constant 0 : i32
        %dma_wait3A_63 = tpu.memref_slice %arg2[%dma_wait3A_61, %dma_wait3A_62] : memref<10000x128xf32, #tpu.memory_space<hbm>> -> memref<10000x128xf32, #tpu.memory_space<hbm>>
        tpu.wait_indirect_dma semaphore(%arg13 : memref<!tpu.dma_semaphore, #tpu.memory_space<semaphore_mem>>) src(%dma_wait3A_63 : memref<10000x128xf32, #tpu.memory_space<hbm>>) dst(%arg10 : memref<128x128xf32, #tpu.memory_space<vmem>>)
        %add3A_64 = arith.constant 1 : i32
        %add3A_65 = arith.addi %add3A_38, %add3A_64 : i32
        "tpu.region"() ({
          %run_scoped3A = tpu.sem_alloc : memref<!tpu.dma_semaphore, #tpu.memory_space<semaphore_mem>>
          %dma_start3A_66 = arith.constant 0 : i32
          %dma_start3A_67 = tpu.memref_slice %arg8[%add3A_65, %dma_start3A_66] : memref<40x128xi32, #tpu.memory_space<vmem>> -> memref<1x128xi32, #tpu.memory_space<vmem>>
          %dma_start3A_68 = tpu.memref_squeeze %dma_start3A_67 : memref<1x128xi32, #tpu.memory_space<vmem>> -> memref<128xi32, #tpu.memory_space<vmem>>
          %dma_start3A_69 = arith.constant 0 : i32
          %dma_start3A_70 = arith.constant 0 : i32
          %dma_start3A_71 = tpu.memref_slice %arg11[%dma_start3A_69, %dma_start3A_70] : memref<10240x128xf32, #tpu.memory_space<vmem_shared>> -> memref<10240x128xf32, #tpu.memory_space<vmem_shared>>
          tpu.enqueue_indirect_dma source(%arg10 : memref<128x128xf32, #tpu.memory_space<vmem>>) target(%dma_start3A_71 : memref<10240x128xf32, #tpu.memory_space<vmem_shared>>) offsets(%dma_start3A_68 : memref<128xi32, #tpu.memory_space<vmem>>) semaphore(%run_scoped3A : memref<!tpu.dma_semaphore, #tpu.memory_space<semaphore_mem>>) {add = true}
          %dma_wait3A_72 = arith.constant 0 : i32
          %dma_wait3A_73 = tpu.memref_slice %arg8[%add3A_65, %dma_wait3A_72] : memref<40x128xi32, #tpu.memory_space<vmem>> -> memref<1x128xi32, #tpu.memory_space<vmem>>
          %dma_wait3A_74 = tpu.memref_squeeze %dma_wait3A_73 : memref<1x128xi32, #tpu.memory_space<vmem>> -> memref<128xi32, #tpu.memory_space<vmem>>
          %dma_wait3A_75 = arith.constant 0 : i32
          %dma_wait3A_76 = arith.constant 0 : i32
          %dma_wait3A_77 = tpu.memref_slice %arg11[%dma_wait3A_75, %dma_wait3A_76] : memref<10240x128xf32, #tpu.memory_space<vmem_shared>> -> memref<10240x128xf32, #tpu.memory_space<vmem_shared>>
          tpu.wait_indirect_dma semaphore(%run_scoped3A : memref<!tpu.dma_semaphore, #tpu.memory_space<semaphore_mem>>) src(%arg10 : memref<128x128xf32, #tpu.memory_space<vmem>>) dst(%dma_wait3A_77 : memref<10240x128xf32, #tpu.memory_space<vmem_shared>>)
          tpu.yield
        }) : () -> ()
      }
      %scan3A_33 = arith.constant 20 : i32
    }
    %scan3A_8 = arith.constant 2 : i32
    %barrier3A_9 = arith.constant 0 : index
    tpu.barrier barrier_id(%barrier3A_9)
    %mul3A_10 = arith.constant 640 : i32
    %mul3A_11 = arith.muli %arg1, %mul3A_10 : i32
    %mul3A_12 = arith.constant 640 : i32
    %mul3A_13 = arith.muli %arg1, %mul3A_12 : i32
    "tpu.region"() ({
      %run_scoped3A = tpu.sem_alloc : memref<!tpu.dma_semaphore, #tpu.memory_space<semaphore_mem>>
      %dma_start3A = arith.constant 0 : i32
      %dma_start3A_14 = tpu.memref_slice %arg6[%arg0, %mul3A_13, %dma_start3A] : memref<2x10240x128xf32, #tpu.memory_space<hbm>> -> memref<1x640x128xf32, #tpu.memory_space<hbm>>
      %dma_start3A_15 = tpu.memref_squeeze %dma_start3A_14 : memref<1x640x128xf32, #tpu.memory_space<hbm>> -> memref<640x128xf32, #tpu.memory_space<hbm>>
      %dma_start3A_16 = arith.constant 0 : i32
      %dma_start3A_17 = tpu.memref_slice %arg11[%mul3A_11, %dma_start3A_16] : memref<10240x128xf32, #tpu.memory_space<vmem_shared>> -> memref<640x128xf32, #tpu.memory_space<vmem_shared>>
      tpu.enqueue_dma source(%dma_start3A_17 : memref<640x128xf32, #tpu.memory_space<vmem_shared>>) target(%dma_start3A_15 : memref<640x128xf32, #tpu.memory_space<hbm>>) target_semaphore(%run_scoped3A : memref<!tpu.dma_semaphore, #tpu.memory_space<semaphore_mem>>)
      %dma_wait3A = arith.constant 0 : i32
      %dma_wait3A_18 = tpu.memref_slice %arg6[%arg0, %mul3A_13, %dma_wait3A] : memref<2x10240x128xf32, #tpu.memory_space<hbm>> -> memref<1x640x128xf32, #tpu.memory_space<hbm>>
      %dma_wait3A_19 = tpu.memref_squeeze %dma_wait3A_18 : memref<1x640x128xf32, #tpu.memory_space<hbm>> -> memref<640x128xf32, #tpu.memory_space<hbm>>
      %dma_wait3A_20 = arith.constant 0 : i32
      %dma_wait3A_21 = tpu.memref_slice %arg11[%mul3A_11, %dma_wait3A_20] : memref<10240x128xf32, #tpu.memory_space<vmem_shared>> -> memref<640x128xf32, #tpu.memory_space<vmem_shared>>
      tpu.wait_dma2 semaphore(%run_scoped3A : memref<!tpu.dma_semaphore, #tpu.memory_space<semaphore_mem>>) src(%dma_wait3A_21 : memref<640x128xf32, #tpu.memory_space<vmem_shared>>) dst(%dma_wait3A_19 : memref<640x128xf32, #tpu.memory_space<hbm>>)
      tpu.yield
    }) : () -> ()
    return
  }
}

#map = affine_map<(d0, d1) -> (0, 0)>
module attributes {stable_mosaic.version = 14 : i64} {
  func.func @k(%arg0: i32, %arg1: i32, %arg2: memref<32x10240xi32, #tpu.memory_space<hbm>>, %arg3: memref<2x10240xf32, #tpu.memory_space<hbm>>, %arg4: memref<10240xi32, #tpu.memory_space<vmem>>, %arg5: memref<10240xf32, #tpu.memory_space<vmem>>, %arg6: memref<640xf32, #tpu.memory_space<vmem>>, %arg7: memref<640xf32, #tpu.memory_space<vmem>>, %arg8: memref<16x10240xf32, #tpu.memory_space<vmem_shared>>) attributes {dimension_semantics = [#tpu.dimension_semantics<core_parallel>, #tpu.dimension_semantics<subcore_parallel>], iteration_bounds = array<i64: 2, 16>, scalar_prefetch = 0 : i64, scratch_operands = 5 : i64, tpu.core_type = #tpu.core_type<sc_vector_subcore>, window_params = [{transform_indices = #map}, {transform_indices = #map}]} {
    %mul3A = arith.constant 2 : i32
    %mul3A_0 = arith.muli %arg1, %mul3A : i32
    %add3A = arith.addi %mul3A_0, %arg0 : i32
    "tpu.region"() ({
      %run_scoped3A_19 = tpu.sem_alloc : memref<!tpu.dma_semaphore, #tpu.memory_space<semaphore_mem>>
      %dma_start3A = arith.constant 0 : i32
      %dma_start3A_20 = tpu.memref_slice %arg2[%add3A, %dma_start3A] : memref<32x10240xi32, #tpu.memory_space<hbm>> -> memref<1x10240xi32, #tpu.memory_space<hbm>>
      %dma_start3A_21 = tpu.memref_squeeze %dma_start3A_20 : memref<1x10240xi32, #tpu.memory_space<hbm>> -> memref<10240xi32, #tpu.memory_space<hbm>>
      %dma_start3A_22 = arith.constant 0 : i32
      %dma_start3A_23 = tpu.memref_slice %arg2[%add3A, %dma_start3A_22] : memref<32x10240xi32, #tpu.memory_space<hbm>> -> memref<1x10240xi32, #tpu.memory_space<hbm>>
      %dma_start3A_24 = tpu.memref_squeeze %dma_start3A_23 : memref<1x10240xi32, #tpu.memory_space<hbm>> -> memref<10240xi32, #tpu.memory_space<hbm>>
      tpu.enqueue_dma source(%dma_start3A_24 : memref<10240xi32, #tpu.memory_space<hbm>>) target(%arg4 : memref<10240xi32, #tpu.memory_space<vmem>>) target_semaphore(%run_scoped3A_19 : memref<!tpu.dma_semaphore, #tpu.memory_space<semaphore_mem>>)
      %dma_wait3A = arith.constant 0 : i32
      %dma_wait3A_25 = tpu.memref_slice %arg2[%add3A, %dma_wait3A] : memref<32x10240xi32, #tpu.memory_space<hbm>> -> memref<1x10240xi32, #tpu.memory_space<hbm>>
      %dma_wait3A_26 = tpu.memref_squeeze %dma_wait3A_25 : memref<1x10240xi32, #tpu.memory_space<hbm>> -> memref<10240xi32, #tpu.memory_space<hbm>>
      %dma_wait3A_27 = arith.constant 0 : i32
      %dma_wait3A_28 = tpu.memref_slice %arg2[%add3A, %dma_wait3A_27] : memref<32x10240xi32, #tpu.memory_space<hbm>> -> memref<1x10240xi32, #tpu.memory_space<hbm>>
      %dma_wait3A_29 = tpu.memref_squeeze %dma_wait3A_28 : memref<1x10240xi32, #tpu.memory_space<hbm>> -> memref<10240xi32, #tpu.memory_space<hbm>>
      tpu.wait_dma2 semaphore(%run_scoped3A_19 : memref<!tpu.dma_semaphore, #tpu.memory_space<semaphore_mem>>) src(%dma_wait3A_29 : memref<10240xi32, #tpu.memory_space<hbm>>) dst(%arg4 : memref<10240xi32, #tpu.memory_space<vmem>>)
      tpu.yield
    }) : () -> ()
    %scan3A = arith.constant 0 : i32
    %scan3A_1 = arith.constant 160 : i32
    %scan3A_2 = arith.addi %scan3A, %scan3A_1 : i32
    %scan3A_3 = arith.constant 1 : i32
    scf.for %scan3A_19 = %scan3A to %scan3A_2 step %scan3A_3  : i32 {
      %mul3A_20 = arith.constant 4 : i32
      %mul3A_21 = arith.muli %scan3A_19, %mul3A_20 : i32
      %add3A_22 = arith.constant 0 : i32
      %add3A_23 = arith.addi %add3A_22, %mul3A_21 : i32
      %broadcast_in_dim3A = arith.constant 0.000000e+00 : f32
      %broadcast_in_dim3A_24 = vector.broadcast %broadcast_in_dim3A : f32 to vector<16xf32>
      %add3A_25 = arith.constant 0 : i32
      %add3A_26 = arith.addi %add3A_23, %add3A_25 : i32
      %mul3A_27 = arith.constant 16 : i32
      %mul3A_28 = arith.muli %add3A_26, %mul3A_27 : i32
      %swap3A = arith.index_cast %mul3A_28 : i32 to index
      %swap3A_29 = tpu.vector_load %arg5[%swap3A] {strides = array<i32>} : memref<10240xf32, #tpu.memory_space<vmem>>, vector<16xf32>,
      tpu.vector_store %arg5[%swap3A], %broadcast_in_dim3A_24 {strides = array<i32>} : memref<10240xf32, #tpu.memory_space<vmem>>, vector<16xf32>,
      %broadcast_in_dim3A_30 = arith.constant 0.000000e+00 : f32
      %broadcast_in_dim3A_31 = vector.broadcast %broadcast_in_dim3A_30 : f32 to vector<16xf32>
      %add3A_32 = arith.constant 1 : i32
      %add3A_33 = arith.addi %add3A_23, %add3A_32 : i32
      %mul3A_34 = arith.constant 16 : i32
      %mul3A_35 = arith.muli %add3A_33, %mul3A_34 : i32
      %swap3A_36 = arith.index_cast %mul3A_35 : i32 to index
      %swap3A_37 = tpu.vector_load %arg5[%swap3A_36] {strides = array<i32>} : memref<10240xf32, #tpu.memory_space<vmem>>, vector<16xf32>,
      tpu.vector_store %arg5[%swap3A_36], %broadcast_in_dim3A_31 {strides = array<i32>} : memref<10240xf32, #tpu.memory_space<vmem>>, vector<16xf32>,
      %broadcast_in_dim3A_38 = arith.constant 0.000000e+00 : f32
      %broadcast_in_dim3A_39 = vector.broadcast %broadcast_in_dim3A_38 : f32 to vector<16xf32>
      %add3A_40 = arith.constant 2 : i32
      %add3A_41 = arith.addi %add3A_23, %add3A_40 : i32
      %mul3A_42 = arith.constant 16 : i32
      %mul3A_43 = arith.muli %add3A_41, %mul3A_42 : i32
      %swap3A_44 = arith.index_cast %mul3A_43 : i32 to index
      %swap3A_45 = tpu.vector_load %arg5[%swap3A_44] {strides = array<i32>} : memref<10240xf32, #tpu.memory_space<vmem>>, vector<16xf32>,
      tpu.vector_store %arg5[%swap3A_44], %broadcast_in_dim3A_39 {strides = array<i32>} : memref<10240xf32, #tpu.memory_space<vmem>>, vector<16xf32>,
      %broadcast_in_dim3A_46 = arith.constant 0.000000e+00 : f32
      %broadcast_in_dim3A_47 = vector.broadcast %broadcast_in_dim3A_46 : f32 to vector<16xf32>
      %add3A_48 = arith.constant 3 : i32
      %add3A_49 = arith.addi %add3A_23, %add3A_48 : i32
      %mul3A_50 = arith.constant 16 : i32
      %mul3A_51 = arith.muli %add3A_49, %mul3A_50 : i32
      %swap3A_52 = arith.index_cast %mul3A_51 : i32 to index
      %swap3A_53 = tpu.vector_load %arg5[%swap3A_52] {strides = array<i32>} : memref<10240xf32, #tpu.memory_space<vmem>>, vector<16xf32>,
      tpu.vector_store %arg5[%swap3A_52], %broadcast_in_dim3A_47 {strides = array<i32>} : memref<10240xf32, #tpu.memory_space<vmem>>, vector<16xf32>,
    }
    %scan3A_4 = arith.constant 160 : i32
    %scan3A_5 = arith.constant 0 : i32
    %scan3A_6 = arith.constant 160 : i32
    %scan3A_7 = arith.addi %scan3A_5, %scan3A_6 : i32
    %scan3A_8 = arith.constant 1 : i32
    scf.for %scan3A_19 = %scan3A_5 to %scan3A_7 step %scan3A_8  : i32 {
      %mul3A_20 = arith.constant 4 : i32
      %mul3A_21 = arith.muli %scan3A_19, %mul3A_20 : i32
      %add3A_22 = arith.constant 0 : i32
      %add3A_23 = arith.addi %add3A_22, %mul3A_21 : i32
      %add3A_24 = arith.constant 0 : i32
      %add3A_25 = arith.addi %add3A_23, %add3A_24 : i32
      %mul3A_26 = arith.constant 16 : i32
      %mul3A_27 = arith.muli %add3A_25, %mul3A_26 : i32
      %get3A = arith.index_cast %mul3A_27 : i32 to index
      %get3A_28 = tpu.vector_load %arg4[%get3A] {strides = array<i32>} : memref<10240xi32, #tpu.memory_space<vmem>>, vector<16xi32>,
      %broadcast_in_dim3A = arith.constant true
      %broadcast_in_dim3A_29 = vector.broadcast %broadcast_in_dim3A : i1 to vector<16xi1>
      %unique3A, %unique3A_30 = tpu.scan_count mask(%broadcast_in_dim3A_29 : vector<16xi1>) value(%get3A_28 : vector<16xi32>) : vector<16xi1>, vector<16xi32>
      %convert_element_type3A = arith.sitofp %unique3A_30 : vector<16xi32> to vector<16xf32>
      tpu.vector_store_idx %arg5[%get3A_28], %convert_element_type3A masked %unique3A {add = true} : memref<10240xf32, #tpu.memory_space<vmem>>[vector<16xi32>], vector<16xf32>, vector<16xi1>
      %add3A_31 = arith.constant 1 : i32
      %add3A_32 = arith.addi %add3A_23, %add3A_31 : i32
      %mul3A_33 = arith.constant 16 : i32
      %mul3A_34 = arith.muli %add3A_32, %mul3A_33 : i32
      %get3A_35 = arith.index_cast %mul3A_34 : i32 to index
      %get3A_36 = tpu.vector_load %arg4[%get3A_35] {strides = array<i32>} : memref<10240xi32, #tpu.memory_space<vmem>>, vector<16xi32>,
      %broadcast_in_dim3A_37 = arith.constant true
      %broadcast_in_dim3A_38 = vector.broadcast %broadcast_in_dim3A_37 : i1 to vector<16xi1>
      %unique3A_39, %unique3A_40 = tpu.scan_count mask(%broadcast_in_dim3A_38 : vector<16xi1>) value(%get3A_36 : vector<16xi32>) : vector<16xi1>, vector<16xi32>
      %convert_element_type3A_41 = arith.sitofp %unique3A_40 : vector<16xi32> to vector<16xf32>
      tpu.vector_store_idx %arg5[%get3A_36], %convert_element_type3A_41 masked %unique3A_39 {add = true} : memref<10240xf32, #tpu.memory_space<vmem>>[vector<16xi32>], vector<16xf32>, vector<16xi1>
      %add3A_42 = arith.constant 2 : i32
      %add3A_43 = arith.addi %add3A_23, %add3A_42 : i32
      %mul3A_44 = arith.constant 16 : i32
      %mul3A_45 = arith.muli %add3A_43, %mul3A_44 : i32
      %get3A_46 = arith.index_cast %mul3A_45 : i32 to index
      %get3A_47 = tpu.vector_load %arg4[%get3A_46] {strides = array<i32>} : memref<10240xi32, #tpu.memory_space<vmem>>, vector<16xi32>,
      %broadcast_in_dim3A_48 = arith.constant true
      %broadcast_in_dim3A_49 = vector.broadcast %broadcast_in_dim3A_48 : i1 to vector<16xi1>
      %unique3A_50, %unique3A_51 = tpu.scan_count mask(%broadcast_in_dim3A_49 : vector<16xi1>) value(%get3A_47 : vector<16xi32>) : vector<16xi1>, vector<16xi32>
      %convert_element_type3A_52 = arith.sitofp %unique3A_51 : vector<16xi32> to vector<16xf32>
      tpu.vector_store_idx %arg5[%get3A_47], %convert_element_type3A_52 masked %unique3A_50 {add = true} : memref<10240xf32, #tpu.memory_space<vmem>>[vector<16xi32>], vector<16xf32>, vector<16xi1>
      %add3A_53 = arith.constant 3 : i32
      %add3A_54 = arith.addi %add3A_23, %add3A_53 : i32
      %mul3A_55 = arith.constant 16 : i32
      %mul3A_56 = arith.muli %add3A_54, %mul3A_55 : i32
      %get3A_57 = arith.index_cast %mul3A_56 : i32 to index
      %get3A_58 = tpu.vector_load %arg4[%get3A_57] {strides = array<i32>} : memref<10240xi32, #tpu.memory_space<vmem>>, vector<16xi32>,
      %broadcast_in_dim3A_59 = arith.constant true
      %broadcast_in_dim3A_60 = vector.broadcast %broadcast_in_dim3A_59 : i1 to vector<16xi1>
      %unique3A_61, %unique3A_62 = tpu.scan_count mask(%broadcast_in_dim3A_60 : vector<16xi1>) value(%get3A_58 : vector<16xi32>) : vector<16xi1>, vector<16xi32>
      %convert_element_type3A_63 = arith.sitofp %unique3A_62 : vector<16xi32> to vector<16xf32>
      tpu.vector_store_idx %arg5[%get3A_58], %convert_element_type3A_63 masked %unique3A_61 {add = true} : memref<10240xf32, #tpu.memory_space<vmem>>[vector<16xi32>], vector<16xf32>, vector<16xi1>
    }
    %scan3A_9 = arith.constant 160 : i32
    "tpu.region"() ({
      %run_scoped3A_19 = tpu.sem_alloc : memref<!tpu.dma_semaphore, #tpu.memory_space<semaphore_mem>>
      %dma_start3A = arith.constant 0 : i32
      %dma_start3A_20 = tpu.memref_slice %arg8[%arg1, %dma_start3A] : memref<16x10240xf32, #tpu.memory_space<vmem_shared>> -> memref<1x10240xf32, #tpu.memory_space<vmem_shared>>
      %dma_start3A_21 = tpu.memref_squeeze %dma_start3A_20 : memref<1x10240xf32, #tpu.memory_space<vmem_shared>> -> memref<10240xf32, #tpu.memory_space<vmem_shared>>
      %dma_start3A_22 = arith.constant 0 : i32
      %dma_start3A_23 = tpu.memref_slice %arg8[%arg1, %dma_start3A_22] : memref<16x10240xf32, #tpu.memory_space<vmem_shared>> -> memref<1x10240xf32, #tpu.memory_space<vmem_shared>>
      %dma_start3A_24 = tpu.memref_squeeze %dma_start3A_23 : memref<1x10240xf32, #tpu.memory_space<vmem_shared>> -> memref<10240xf32, #tpu.memory_space<vmem_shared>>
      tpu.enqueue_dma source(%arg5 : memref<10240xf32, #tpu.memory_space<vmem>>) target(%dma_start3A_24 : memref<10240xf32, #tpu.memory_space<vmem_shared>>) target_semaphore(%run_scoped3A_19 : memref<!tpu.dma_semaphore, #tpu.memory_space<semaphore_mem>>)
      %dma_wait3A = arith.constant 0 : i32
      %dma_wait3A_25 = tpu.memref_slice %arg8[%arg1, %dma_wait3A] : memref<16x10240xf32, #tpu.memory_space<vmem_shared>> -> memref<1x10240xf32, #tpu.memory_space<vmem_shared>>
      %dma_wait3A_26 = tpu.memref_squeeze %dma_wait3A_25 : memref<1x10240xf32, #tpu.memory_space<vmem_shared>> -> memref<10240xf32, #tpu.memory_space<vmem_shared>>
      %dma_wait3A_27 = arith.constant 0 : i32
      %dma_wait3A_28 = tpu.memref_slice %arg8[%arg1, %dma_wait3A_27] : memref<16x10240xf32, #tpu.memory_space<vmem_shared>> -> memref<1x10240xf32, #tpu.memory_space<vmem_shared>>
      %dma_wait3A_29 = tpu.memref_squeeze %dma_wait3A_28 : memref<1x10240xf32, #tpu.memory_space<vmem_shared>> -> memref<10240xf32, #tpu.memory_space<vmem_shared>>
      tpu.wait_dma2 semaphore(%run_scoped3A_19 : memref<!tpu.dma_semaphore, #tpu.memory_space<semaphore_mem>>) src(%arg5 : memref<10240xf32, #tpu.memory_space<vmem>>) dst(%dma_wait3A_29 : memref<10240xf32, #tpu.memory_space<vmem_shared>>)
      tpu.yield
    }) : () -> ()
    %barrier3A = arith.constant 0 : index
    tpu.barrier barrier_id(%barrier3A)
    %mul3A_10 = arith.constant 640 : i32
    %mul3A_11 = arith.muli %arg1, %mul3A_10 : i32
    %run_scoped3A = arith.constant 0 : i32
    "tpu.region"() ({
      %run_scoped3A_19 = tpu.sem_alloc : memref<!tpu.dma_semaphore, #tpu.memory_space<semaphore_mem>>
      %dma_start3A = tpu.memref_slice %arg8[%run_scoped3A, %mul3A_11] : memref<16x10240xf32, #tpu.memory_space<vmem_shared>> -> memref<1x640xf32, #tpu.memory_space<vmem_shared>>
      %dma_start3A_20 = tpu.memref_squeeze %dma_start3A : memref<1x640xf32, #tpu.memory_space<vmem_shared>> -> memref<640xf32, #tpu.memory_space<vmem_shared>>
      %dma_start3A_21 = tpu.memref_slice %arg8[%run_scoped3A, %mul3A_11] : memref<16x10240xf32, #tpu.memory_space<vmem_shared>> -> memref<1x640xf32, #tpu.memory_space<vmem_shared>>
      %dma_start3A_22 = tpu.memref_squeeze %dma_start3A_21 : memref<1x640xf32, #tpu.memory_space<vmem_shared>> -> memref<640xf32, #tpu.memory_space<vmem_shared>>
      tpu.enqueue_dma source(%dma_start3A_22 : memref<640xf32, #tpu.memory_space<vmem_shared>>) target(%arg6 : memref<640xf32, #tpu.memory_space<vmem>>) target_semaphore(%run_scoped3A_19 : memref<!tpu.dma_semaphore, #tpu.memory_space<semaphore_mem>>)
      %dma_wait3A = tpu.memref_slice %arg8[%run_scoped3A, %mul3A_11] : memref<16x10240xf32, #tpu.memory_space<vmem_shared>> -> memref<1x640xf32, #tpu.memory_space<vmem_shared>>
      %dma_wait3A_23 = tpu.memref_squeeze %dma_wait3A : memref<1x640xf32, #tpu.memory_space<vmem_shared>> -> memref<640xf32, #tpu.memory_space<vmem_shared>>
      %dma_wait3A_24 = tpu.memref_slice %arg8[%run_scoped3A, %mul3A_11] : memref<16x10240xf32, #tpu.memory_space<vmem_shared>> -> memref<1x640xf32, #tpu.memory_space<vmem_shared>>
      %dma_wait3A_25 = tpu.memref_squeeze %dma_wait3A_24 : memref<1x640xf32, #tpu.memory_space<vmem_shared>> -> memref<640xf32, #tpu.memory_space<vmem_shared>>
      tpu.wait_dma2 semaphore(%run_scoped3A_19 : memref<!tpu.dma_semaphore, #tpu.memory_space<semaphore_mem>>) src(%dma_wait3A_25 : memref<640xf32, #tpu.memory_space<vmem_shared>>) dst(%arg6 : memref<640xf32, #tpu.memory_space<vmem>>)
      tpu.yield
    }) : () -> ()
    %scan3A_12 = arith.constant 0 : i32
    %scan3A_13 = arith.constant 15 : i32
    %scan3A_14 = arith.addi %scan3A_12, %scan3A_13 : i32
    %scan3A_15 = arith.constant 1 : i32
    scf.for %scan3A_19 = %scan3A_12 to %scan3A_14 step %scan3A_15  : i32 {
      %mul3A_20 = arith.constant 1 : i32
      %mul3A_21 = arith.muli %scan3A_19, %mul3A_20 : i32
      %add3A_22 = arith.constant 1 : i32
      %add3A_23 = arith.addi %add3A_22, %mul3A_21 : i32
      %mul3A_24 = arith.constant 640 : i32
      %mul3A_25 = arith.muli %arg1, %mul3A_24 : i32
      "tpu.region"() ({
        %run_scoped3A_31 = tpu.sem_alloc : memref<!tpu.dma_semaphore, #tpu.memory_space<semaphore_mem>>
        %dma_start3A = tpu.memref_slice %arg8[%add3A_23, %mul3A_25] : memref<16x10240xf32, #tpu.memory_space<vmem_shared>> -> memref<1x640xf32, #tpu.memory_space<vmem_shared>>
        %dma_start3A_32 = tpu.memref_squeeze %dma_start3A : memref<1x640xf32, #tpu.memory_space<vmem_shared>> -> memref<640xf32, #tpu.memory_space<vmem_shared>>
        %dma_start3A_33 = tpu.memref_slice %arg8[%add3A_23, %mul3A_25] : memref<16x10240xf32, #tpu.memory_space<vmem_shared>> -> memref<1x640xf32, #tpu.memory_space<vmem_shared>>
        %dma_start3A_34 = tpu.memref_squeeze %dma_start3A_33 : memref<1x640xf32, #tpu.memory_space<vmem_shared>> -> memref<640xf32, #tpu.memory_space<vmem_shared>>
        tpu.enqueue_dma source(%dma_start3A_34 : memref<640xf32, #tpu.memory_space<vmem_shared>>) target(%arg7 : memref<640xf32, #tpu.memory_space<vmem>>) target_semaphore(%run_scoped3A_31 : memref<!tpu.dma_semaphore, #tpu.memory_space<semaphore_mem>>)
        %dma_wait3A = tpu.memref_slice %arg8[%add3A_23, %mul3A_25] : memref<16x10240xf32, #tpu.memory_space<vmem_shared>> -> memref<1x640xf32, #tpu.memory_space<vmem_shared>>
        %dma_wait3A_35 = tpu.memref_squeeze %dma_wait3A : memref<1x640xf32, #tpu.memory_space<vmem_shared>> -> memref<640xf32, #tpu.memory_space<vmem_shared>>
        %dma_wait3A_36 = tpu.memref_slice %arg8[%add3A_23, %mul3A_25] : memref<16x10240xf32, #tpu.memory_space<vmem_shared>> -> memref<1x640xf32, #tpu.memory_space<vmem_shared>>
        %dma_wait3A_37 = tpu.memref_squeeze %dma_wait3A_36 : memref<1x640xf32, #tpu.memory_space<vmem_shared>> -> memref<640xf32, #tpu.memory_space<vmem_shared>>
        tpu.wait_dma2 semaphore(%run_scoped3A_31 : memref<!tpu.dma_semaphore, #tpu.memory_space<semaphore_mem>>) src(%dma_wait3A_37 : memref<640xf32, #tpu.memory_space<vmem_shared>>) dst(%arg7 : memref<640xf32, #tpu.memory_space<vmem>>)
        tpu.yield
      }) : () -> ()
      %scan3A_26 = arith.constant 0 : i32
      %scan3A_27 = arith.constant 40 : i32
      %scan3A_28 = arith.addi %scan3A_26, %scan3A_27 : i32
      %scan3A_29 = arith.constant 1 : i32
      scf.for %scan3A_31 = %scan3A_26 to %scan3A_28 step %scan3A_29  : i32 {
        %mul3A_32 = arith.constant 1 : i32
        %mul3A_33 = arith.muli %scan3A_31, %mul3A_32 : i32
        %add3A_34 = arith.constant 0 : i32
        %add3A_35 = arith.addi %add3A_34, %mul3A_33 : i32
        %mul3A_36 = arith.constant 16 : i32
        %mul3A_37 = arith.muli %add3A_35, %mul3A_36 : i32
        %get3A = arith.index_cast %mul3A_37 : i32 to index
        %get3A_38 = tpu.vector_load %arg6[%get3A] {strides = array<i32>} : memref<640xf32, #tpu.memory_space<vmem>>, vector<16xf32>,
        %get3A_39 = arith.index_cast %mul3A_37 : i32 to index
        %get3A_40 = tpu.vector_load %arg7[%get3A_39] {strides = array<i32>} : memref<640xf32, #tpu.memory_space<vmem>>, vector<16xf32>,
        %add3A_41 = arith.addf %get3A_38, %get3A_40 : vector<16xf32>
        %swap3A = arith.index_cast %mul3A_37 : i32 to index
        %swap3A_42 = tpu.vector_load %arg6[%swap3A] {strides = array<i32>} : memref<640xf32, #tpu.memory_space<vmem>>, vector<16xf32>,
        tpu.vector_store %arg6[%swap3A], %add3A_41 {strides = array<i32>} : memref<640xf32, #tpu.memory_space<vmem>>, vector<16xf32>,
      }
      %scan3A_30 = arith.constant 40 : i32
    }
    %scan3A_16 = arith.constant 15 : i32
    %mul3A_17 = arith.constant 640 : i32
    %mul3A_18 = arith.muli %arg1, %mul3A_17 : i32
    "tpu.region"() ({
      %run_scoped3A_19 = tpu.sem_alloc : memref<!tpu.dma_semaphore, #tpu.memory_space<semaphore_mem>>
      %dma_start3A = tpu.memref_slice %arg3[%arg0, %mul3A_18] : memref<2x10240xf32, #tpu.memory_space<hbm>> -> memref<1x640xf32, #tpu.memory_space<hbm>>
      %dma_start3A_20 = tpu.memref_squeeze %dma_start3A : memref<1x640xf32, #tpu.memory_space<hbm>> -> memref<640xf32, #tpu.memory_space<hbm>>
      %dma_start3A_21 = tpu.memref_slice %arg3[%arg0, %mul3A_18] : memref<2x10240xf32, #tpu.memory_space<hbm>> -> memref<1x640xf32, #tpu.memory_space<hbm>>
      %dma_start3A_22 = tpu.memref_squeeze %dma_start3A_21 : memref<1x640xf32, #tpu.memory_space<hbm>> -> memref<640xf32, #tpu.memory_space<hbm>>
      tpu.enqueue_dma source(%arg6 : memref<640xf32, #tpu.memory_space<vmem>>) target(%dma_start3A_22 : memref<640xf32, #tpu.memory_space<hbm>>) target_semaphore(%run_scoped3A_19 : memref<!tpu.dma_semaphore, #tpu.memory_space<semaphore_mem>>)
      %dma_wait3A = tpu.memref_slice %arg3[%arg0, %mul3A_18] : memref<2x10240xf32, #tpu.memory_space<hbm>> -> memref<1x640xf32, #tpu.memory_space<hbm>>
      %dma_wait3A_23 = tpu.memref_squeeze %dma_wait3A : memref<1x640xf32, #tpu.memory_space<hbm>> -> memref<640xf32, #tpu.memory_space<hbm>>
      %dma_wait3A_24 = tpu.memref_slice %arg3[%arg0, %mul3A_18] : memref<2x10240xf32, #tpu.memory_space<hbm>> -> memref<1x640xf32, #tpu.memory_space<hbm>>
      %dma_wait3A_25 = tpu.memref_squeeze %dma_wait3A_24 : memref<1x640xf32, #tpu.memory_space<hbm>> -> memref<640xf32, #tpu.memory_space<hbm>>
      tpu.wait_dma2 semaphore(%run_scoped3A_19 : memref<!tpu.dma_semaphore, #tpu.memory_space<semaphore_mem>>) src(%arg6 : memref<640xf32, #tpu.memory_space<vmem>>) dst(%dma_wait3A_25 : memref<640xf32, #tpu.memory_space<hbm>>)
      tpu.yield
    }) : () -> ()
    return
  }
}

module attributes {stable_mosaic.version = 14 : i64} {
  func.func @body(%arg0: i32, %arg1: memref<1000x128xf32, #tpu.memory_space<vmem>>, %arg2: memref<128x128xf32, #tpu.memory_space<vmem>>, %arg3: memref<1000x1xf32, #tpu.memory_space<vmem>>, %arg4: memref<1000x1xf32, #tpu.memory_space<vmem>>, %arg5: memref<1000x128xf32, #tpu.memory_space<vmem>>) attributes {dimension_semantics = [#tpu.dimension_semantics<arbitrary>], iteration_bounds = array<i64: 10>, scalar_prefetch = 0 : i64, scratch_operands = 0 : i64, tpu.core_type = #tpu.core_type<tc>, window_params = [{transform_indices = @transform_0, window_bounds = array<i64: 1000, 128>}, {pipeline_mode = #tpu.pipeline_mode<synchronous>, transform_indices = @transform_1, window_bounds = array<i64: 128, 128>}, {transform_indices = @transform_2, window_bounds = array<i64: 1000, 1>}, {transform_indices = @transform_3, window_bounds = array<i64: 1000, 1>}, {transform_indices = @transform_4, window_bounds = array<i64: 1000, 128>}]} {
    %get3A = arith.constant 0 : index
    %get3A_0 = arith.constant 0 : index
    %get3A_1 = vector.load %arg3[%get3A, %get3A_0] : memref<1000x1xf32, #tpu.memory_space<vmem>>, vector<1000x1xf32>
    %get3A_2 = arith.constant 0 : index
    %get3A_3 = arith.constant 0 : index
    %get3A_4 = vector.load %arg4[%get3A_2, %get3A_3] : memref<1000x1xf32, #tpu.memory_space<vmem>>, vector<1000x1xf32>
    %add3A = arith.addf %get3A_1, %get3A_4 : vector<1000x1xf32>
    %add3A_5 = arith.constant 1.000000e+00 : f32
    %add3A_6 = vector.broadcast %add3A_5 : f32 to vector<1000x1xf32>
    %add3A_7 = arith.addf %add3A, %add3A_6 : vector<1000x1xf32>
    %rsqrt3A = math.rsqrt %add3A_7 : vector<1000x1xf32>
    %get3A_8 = arith.constant 0 : index
    %get3A_9 = arith.constant 0 : index
    %get3A_10 = vector.load %arg1[%get3A_8, %get3A_9] : memref<1000x128xf32, #tpu.memory_space<vmem>>, vector<1000x128xf32>
    %get3A_11 = arith.constant 0 : index
    %get3A_12 = arith.constant 0 : index
    %get3A_13 = vector.load %arg2[%get3A_11, %get3A_12] : memref<128x128xf32, #tpu.memory_space<vmem>>, vector<128x128xf32>
    %dot_general3A = arith.constant dense<0.000000e+00> : vector<1000x128xf32>
    %dot_general3A_14 = tpu.matmul %get3A_10, %get3A_13, %dot_general3A {dimension_numbers = #tpu.dot_dimension_numbers<[1], [0], [0], [1], [0, 0, 1, 1], [], []>, transpose_lhs_hint = false} : vector<1000x128xf32>, vector<128x128xf32>, vector<1000x128xf32> -> vector<1000x128xf32>
    %mul3A = vector.broadcast %rsqrt3A : vector<1000x1xf32> to vector<1000x128xf32>
    %mul3A_15 = arith.mulf %mul3A, %dot_general3A_14 : vector<1000x128xf32>
    %swap3A = arith.constant 0 : index
    %swap3A_16 = arith.constant 0 : index
    %swap3A_17 = vector.load %arg5[%swap3A, %swap3A_16] : memref<1000x128xf32, #tpu.memory_space<vmem>>, vector<1000x128xf32>
    tpu.vector_store %arg5[%swap3A, %swap3A_16], %mul3A_15 {strides = array<i32>} : memref<1000x128xf32, #tpu.memory_space<vmem>>, vector<1000x128xf32>,
    return
  }
  func.func @transform_0(%arg0: i32) -> (i32, i32) {
    %c0_i32 = arith.constant 0 : i32
    %c0_i32_0 = arith.constant 0 : i32
    return %arg0, %c0_i32 : i32, i32
  }
  func.func @transform_1(%arg0: i32) -> (i32, i32) {
    %c0_i32 = arith.constant 0 : i32
    %c0_i32_0 = arith.constant 0 : i32
    %c0_i32_1 = arith.constant 0 : i32
    return %c0_i32, %c0_i32_0 : i32, i32
  }
  func.func @transform_2(%arg0: i32) -> (i32, i32) {
    %c0_i32 = arith.constant 0 : i32
    %c0_i32_0 = arith.constant 0 : i32
    return %arg0, %c0_i32 : i32, i32
  }
  func.func @transform_3(%arg0: i32) -> (i32, i32) {
    %c0_i32 = arith.constant 0 : i32
    %c0_i32_0 = arith.constant 0 : i32
    return %arg0, %c0_i32 : i32, i32
  }
  func.func @transform_4(%arg0: i32) -> (i32, i32) {
    %c0_i32 = arith.constant 0 : i32
    %c0_i32_0 = arith.constant 0 : i32
    return %arg0, %c0_i32 : i32, i32
  }
}

module attributes {stable_mosaic.version = 14 : i64} {
  func.func @body(%arg0: i32, %arg1: memref<1x1000x128xf32, #tpu.memory_space<vmem>>, %arg2: memref<1x1000x128xf32, #tpu.memory_space<vmem>>, %arg3: memref<1000x128xf32, #tpu.memory_space<vmem>>, %arg4: memref<1000x1xf32, #tpu.memory_space<vmem>>, %arg5: memref<1000x1xf32, #tpu.memory_space<vmem>>, %arg6: memref<1x64xf32, #tpu.memory_space<vmem>>, %arg7: memref<1000x64xf32, #tpu.memory_space<vmem>>) attributes {dimension_semantics = [#tpu.dimension_semantics<arbitrary>], iteration_bounds = array<i64: 10>, scalar_prefetch = 0 : i64, scratch_operands = 0 : i64, tpu.core_type = #tpu.core_type<tc>, window_params = [{transform_indices = @transform_0, window_bounds = array<i64: 1, 1000, 128>}, {transform_indices = @transform_1, window_bounds = array<i64: 1, 1000, 128>}, {transform_indices = @transform_2, window_bounds = array<i64: 1000, 128>}, {transform_indices = @transform_3, window_bounds = array<i64: 1000, 1>}, {transform_indices = @transform_4, window_bounds = array<i64: 1000, 1>}, {pipeline_mode = #tpu.pipeline_mode<synchronous>, transform_indices = @transform_5, window_bounds = array<i64: 1, 64>}, {transform_indices = @transform_6, window_bounds = array<i64: 1000, 64>}]} {
    %get3A = arith.constant 0 : index
    %get3A_0 = arith.constant 0 : index
    %get3A_1 = vector.load %arg4[%get3A, %get3A_0] : memref<1000x1xf32, #tpu.memory_space<vmem>>, vector<1000x1xf32>
    %get3A_2 = arith.constant 0 : index
    %get3A_3 = arith.constant 0 : index
    %get3A_4 = vector.load %arg5[%get3A_2, %get3A_3] : memref<1000x1xf32, #tpu.memory_space<vmem>>, vector<1000x1xf32>
    %add3A = arith.addf %get3A_1, %get3A_4 : vector<1000x1xf32>
    %add3A_5 = arith.constant 1.000000e+00 : f32
    %add3A_6 = vector.broadcast %add3A_5 : f32 to vector<1000x1xf32>
    %add3A_7 = arith.addf %add3A, %add3A_6 : vector<1000x1xf32>
    %rsqrt3A = math.rsqrt %add3A_7 : vector<1000x1xf32>
    %get3A_8 = arith.constant 0 : index
    %get3A_9 = arith.constant 0 : index
    %get3A_10 = arith.constant 0 : index
    %get3A_11 = vector.load %arg1[%get3A_8, %get3A_9, %get3A_10] : memref<1x1000x128xf32, #tpu.memory_space<vmem>>, vector<1x1000x128xf32>
    %get3A_12 = vector.shape_cast %get3A_11 : vector<1x1000x128xf32> to vector<1000x128xf32>
    %slice3A = vector.extract_strided_slice %get3A_12 {offsets = [0, 0], sizes = [1000, 64], strides = [1, 1]} : vector<1000x128xf32> to vector<1000x64xf32>
    %get3A_13 = arith.constant 0 : index
    %get3A_14 = arith.constant 0 : index
    %get3A_15 = arith.constant 0 : index
    %get3A_16 = vector.load %arg2[%get3A_13, %get3A_14, %get3A_15] : memref<1x1000x128xf32, #tpu.memory_space<vmem>>, vector<1x1000x128xf32>
    %get3A_17 = vector.shape_cast %get3A_16 : vector<1x1000x128xf32> to vector<1000x128xf32>
    %slice3A_18 = vector.extract_strided_slice %get3A_17 {offsets = [0, 0], sizes = [1000, 64], strides = [1, 1]} : vector<1000x128xf32> to vector<1000x64xf32>
    %add3A_19 = arith.addf %slice3A, %slice3A_18 : vector<1000x64xf32>
    %get3A_20 = arith.constant 0 : index
    %get3A_21 = arith.constant 0 : index
    %get3A_22 = vector.load %arg3[%get3A_20, %get3A_21] : memref<1000x128xf32, #tpu.memory_space<vmem>>, vector<1000x64xf32>
    %add3A_23 = arith.addf %add3A_19, %get3A_22 : vector<1000x64xf32>
    %mul3A = vector.broadcast %rsqrt3A : vector<1000x1xf32> to vector<1000x64xf32>
    %mul3A_24 = arith.mulf %add3A_23, %mul3A : vector<1000x64xf32>
    %get3A_25 = arith.constant 0 : index
    %get3A_26 = arith.constant 0 : index
    %get3A_27 = vector.load %arg6[%get3A_25, %get3A_26] : memref<1x64xf32, #tpu.memory_space<vmem>>, vector<1x64xf32>
    %add3A_28 = vector.broadcast %get3A_27 : vector<1x64xf32> to vector<1000x64xf32>
    %add3A_29 = arith.addf %mul3A_24, %add3A_28 : vector<1000x64xf32>
    %reduce_max3A = arith.constant dense<0xFF800000> : vector<1000xf32>
    %reduce_max3A_30 = vector.multi_reduction <maximumf>, %add3A_29, %reduce_max3A [1] : vector<1000x64xf32> to vector<1000xf32>
    %broadcast_in_dim3A = vector.shape_cast %reduce_max3A_30 : vector<1000xf32> to vector<1000x1xf32>
    %sub3A = vector.broadcast %broadcast_in_dim3A : vector<1000x1xf32> to vector<1000x64xf32>
    %sub3A_31 = arith.subf %add3A_29, %sub3A : vector<1000x64xf32>
    %exp3A = math.exp %sub3A_31 : vector<1000x64xf32>
    %reduce_sum3A = arith.constant dense<0.000000e+00> : vector<1000xf32>
    %reduce_sum3A_32 = vector.multi_reduction <add>, %exp3A, %reduce_sum3A [1] : vector<1000x64xf32> to vector<1000xf32>
    %broadcast_in_dim3A_33 = vector.shape_cast %reduce_sum3A_32 : vector<1000xf32> to vector<1000x1xf32>
    %log3A = math.log %broadcast_in_dim3A_33 : vector<1000x1xf32>
    %add3A_34 = arith.addf %log3A, %broadcast_in_dim3A : vector<1000x1xf32>
    %sub3A_35 = vector.broadcast %add3A_34 : vector<1000x1xf32> to vector<1000x64xf32>
    %sub3A_36 = arith.subf %add3A_29, %sub3A_35 : vector<1000x64xf32>
    %swap3A = arith.constant 0 : index
    %swap3A_37 = arith.constant 0 : index
    %swap3A_38 = vector.load %arg7[%swap3A, %swap3A_37] : memref<1000x64xf32, #tpu.memory_space<vmem>>, vector<1000x64xf32>
    tpu.vector_store %arg7[%swap3A, %swap3A_37], %sub3A_36 {strides = array<i32>} : memref<1000x64xf32, #tpu.memory_space<vmem>>, vector<1000x64xf32>,
    return
  }
  func.func @transform_0(%arg0: i32) -> (i32, i32, i32) {
    %c0_i32 = arith.constant 0 : i32
    %c0_i32_0 = arith.constant 0 : i32
    %c0_i32_1 = arith.constant 0 : i32
    return %c0_i32, %arg0, %c0_i32_0 : i32, i32, i32
  }
  func.func @transform_1(%arg0: i32) -> (i32, i32, i32) {
    %c1_i32 = arith.constant 1 : i32
    %c0_i32 = arith.constant 0 : i32
    %c0_i32_0 = arith.constant 0 : i32
    return %c1_i32, %arg0, %c0_i32 : i32, i32, i32
  }
  func.func @transform_2(%arg0: i32) -> (i32, i32) {
    %c0_i32 = arith.constant 0 : i32
    %c0_i32_0 = arith.constant 0 : i32
    return %arg0, %c0_i32 : i32, i32
  }
  func.func @transform_3(%arg0: i32) -> (i32, i32) {
    %c0_i32 = arith.constant 0 : i32
    %c0_i32_0 = arith.constant 0 : i32
    return %arg0, %c0_i32 : i32, i32
  }
  func.func @transform_4(%arg0: i32) -> (i32, i32) {
    %c0_i32 = arith.constant 0 : i32
    %c0_i32_0 = arith.constant 0 : i32
    return %arg0, %c0_i32 : i32, i32
  }
  func.func @transform_5(%arg0: i32) -> (i32, i32) {
    %c0_i32 = arith.constant 0 : i32
    %c0_i32_0 = arith.constant 0 : i32
    %c0_i32_1 = arith.constant 0 : i32
    return %c0_i32, %c0_i32_0 : i32, i32
  }
  func.func @transform_6(%arg0: i32) -> (i32, i32) {
    %c0_i32 = arith.constant 0 : i32
    %c0_i32_0 = arith.constant 0 : i32
    return %arg0, %c0_i32 : i32, i32
  }
}

module attributes {stable_mosaic.version = 14 : i64} {
  func.func @body(%arg0: i32, %arg1: memref<1x1000x128xf32, #tpu.memory_space<vmem>>, %arg2: memref<1x1000x128xf32, #tpu.memory_space<vmem>>, %arg3: memref<1000x128xf32, #tpu.memory_space<vmem>>, %arg4: memref<1000x1xf32, #tpu.memory_space<vmem>>, %arg5: memref<1000x1xf32, #tpu.memory_space<vmem>>, %arg6: memref<128x128xf32, #tpu.memory_space<vmem>>, %arg7: memref<1x128xf32, #tpu.memory_space<vmem>>, %arg8: memref<1000x128xf32, #tpu.memory_space<vmem>>) attributes {dimension_semantics = [#tpu.dimension_semantics<arbitrary>], iteration_bounds = array<i64: 10>, scalar_prefetch = 0 : i64, scratch_operands = 0 : i64, tpu.core_type = #tpu.core_type<tc>, window_params = [{transform_indices = @transform_0, window_bounds = array<i64: 1, 1000, 128>}, {transform_indices = @transform_1, window_bounds = array<i64: 1, 1000, 128>}, {transform_indices = @transform_2, window_bounds = array<i64: 1000, 128>}, {transform_indices = @transform_3, window_bounds = array<i64: 1000, 1>}, {transform_indices = @transform_4, window_bounds = array<i64: 1000, 1>}, {pipeline_mode = #tpu.pipeline_mode<synchronous>, transform_indices = @transform_5, window_bounds = array<i64: 128, 128>}, {pipeline_mode = #tpu.pipeline_mode<synchronous>, transform_indices = @transform_6, window_bounds = array<i64: 1, 128>}, {transform_indices = @transform_7, window_bounds = array<i64: 1000, 128>}]} {
    %get3A = arith.constant 0 : index
    %get3A_0 = arith.constant 0 : index
    %get3A_1 = vector.load %arg4[%get3A, %get3A_0] : memref<1000x1xf32, #tpu.memory_space<vmem>>, vector<1000x1xf32>
    %get3A_2 = arith.constant 0 : index
    %get3A_3 = arith.constant 0 : index
    %get3A_4 = vector.load %arg5[%get3A_2, %get3A_3] : memref<1000x1xf32, #tpu.memory_space<vmem>>, vector<1000x1xf32>
    %add3A = arith.addf %get3A_1, %get3A_4 : vector<1000x1xf32>
    %add3A_5 = arith.constant 1.000000e+00 : f32
    %add3A_6 = vector.broadcast %add3A_5 : f32 to vector<1000x1xf32>
    %add3A_7 = arith.addf %add3A, %add3A_6 : vector<1000x1xf32>
    %rsqrt3A = math.rsqrt %add3A_7 : vector<1000x1xf32>
    %get3A_8 = arith.constant 0 : index
    %get3A_9 = arith.constant 0 : index
    %get3A_10 = arith.constant 0 : index
    %get3A_11 = vector.load %arg1[%get3A_8, %get3A_9, %get3A_10] : memref<1x1000x128xf32, #tpu.memory_space<vmem>>, vector<1x1000x128xf32>
    %get3A_12 = vector.shape_cast %get3A_11 : vector<1x1000x128xf32> to vector<1000x128xf32>
    %get3A_13 = arith.constant 0 : index
    %get3A_14 = arith.constant 0 : index
    %get3A_15 = arith.constant 0 : index
    %get3A_16 = vector.load %arg2[%get3A_13, %get3A_14, %get3A_15] : memref<1x1000x128xf32, #tpu.memory_space<vmem>>, vector<1x1000x128xf32>
    %get3A_17 = vector.shape_cast %get3A_16 : vector<1x1000x128xf32> to vector<1000x128xf32>
    %add3A_18 = arith.addf %get3A_12, %get3A_17 : vector<1000x128xf32>
    %get3A_19 = arith.constant 0 : index
    %get3A_20 = arith.constant 0 : index
    %get3A_21 = vector.load %arg3[%get3A_19, %get3A_20] : memref<1000x128xf32, #tpu.memory_space<vmem>>, vector<1000x128xf32>
    %add3A_22 = arith.addf %add3A_18, %get3A_21 : vector<1000x128xf32>
    %mul3A = vector.broadcast %rsqrt3A : vector<1000x1xf32> to vector<1000x128xf32>
    %mul3A_23 = arith.mulf %add3A_22, %mul3A : vector<1000x128xf32>
    %get3A_24 = arith.constant 0 : index
    %get3A_25 = arith.constant 0 : index
    %get3A_26 = vector.load %arg7[%get3A_24, %get3A_25] : memref<1x128xf32, #tpu.memory_space<vmem>>, vector<1x128xf32>
    %add3A_27 = vector.broadcast %get3A_26 : vector<1x128xf32> to vector<1000x128xf32>
    %add3A_28 = arith.addf %mul3A_23, %add3A_27 : vector<1000x128xf32>
    %max3A = arith.constant 0.000000e+00 : f32
    %max3A_29 = vector.broadcast %max3A : f32 to vector<1000x128xf32>
    %max3A_30 = arith.maximumf %add3A_28, %max3A_29 : vector<1000x128xf32>
    %get3A_31 = arith.constant 0 : index
    %get3A_32 = arith.constant 0 : index
    %get3A_33 = vector.load %arg6[%get3A_31, %get3A_32] : memref<128x128xf32, #tpu.memory_space<vmem>>, vector<128x128xf32>
    %dot_general3A = arith.constant dense<0.000000e+00> : vector<1000x128xf32>
    %dot_general3A_34 = tpu.matmul %max3A_30, %get3A_33, %dot_general3A {dimension_numbers = #tpu.dot_dimension_numbers<[1], [0], [0], [1], [0, 0, 1, 1], [], []>, transpose_lhs_hint = false} : vector<1000x128xf32>, vector<128x128xf32>, vector<1000x128xf32> -> vector<1000x128xf32>
    %mul3A_35 = vector.broadcast %rsqrt3A : vector<1000x1xf32> to vector<1000x128xf32>
    %mul3A_36 = arith.mulf %mul3A_35, %dot_general3A_34 : vector<1000x128xf32>
    %swap3A = arith.constant 0 : index
    %swap3A_37 = arith.constant 0 : index
    %swap3A_38 = vector.load %arg8[%swap3A, %swap3A_37] : memref<1000x128xf32, #tpu.memory_space<vmem>>, vector<1000x128xf32>
    tpu.vector_store %arg8[%swap3A, %swap3A_37], %mul3A_36 {strides = array<i32>} : memref<1000x128xf32, #tpu.memory_space<vmem>>, vector<1000x128xf32>,
    return
  }
  func.func @transform_0(%arg0: i32) -> (i32, i32, i32) {
    %c0_i32 = arith.constant 0 : i32
    %c0_i32_0 = arith.constant 0 : i32
    %c0_i32_1 = arith.constant 0 : i32
    return %c0_i32, %arg0, %c0_i32_0 : i32, i32, i32
  }
  func.func @transform_1(%arg0: i32) -> (i32, i32, i32) {
    %c1_i32 = arith.constant 1 : i32
    %c0_i32 = arith.constant 0 : i32
    %c0_i32_0 = arith.constant 0 : i32
    return %c1_i32, %arg0, %c0_i32 : i32, i32, i32
  }
  func.func @transform_2(%arg0: i32) -> (i32, i32) {
    %c0_i32 = arith.constant 0 : i32
    %c0_i32_0 = arith.constant 0 : i32
    return %arg0, %c0_i32 : i32, i32
  }
  func.func @transform_3(%arg0: i32) -> (i32, i32) {
    %c0_i32 = arith.constant 0 : i32
    %c0_i32_0 = arith.constant 0 : i32
    return %arg0, %c0_i32 : i32, i32
  }
  func.func @transform_4(%arg0: i32) -> (i32, i32) {
    %c0_i32 = arith.constant 0 : i32
    %c0_i32_0 = arith.constant 0 : i32
    return %arg0, %c0_i32 : i32, i32
  }
  func.func @transform_5(%arg0: i32) -> (i32, i32) {
    %c0_i32 = arith.constant 0 : i32
    %c0_i32_0 = arith.constant 0 : i32
    %c0_i32_1 = arith.constant 0 : i32
    return %c0_i32, %c0_i32_0 : i32, i32
  }
  func.func @transform_6(%arg0: i32) -> (i32, i32) {
    %c0_i32 = arith.constant 0 : i32
    %c0_i32_0 = arith.constant 0 : i32
    %c0_i32_1 = arith.constant 0 : i32
    return %c0_i32, %c0_i32_0 : i32, i32
  }
  func.func @transform_7(%arg0: i32) -> (i32, i32) {
    %c0_i32 = arith.constant 0 : i32
    %c0_i32_0 = arith.constant 0 : i32
    return %arg0, %c0_i32 : i32, i32
  }
}

</mosaic_0001>

<sc_bundles>
// kernel: kernel.11.cloned.1.call-start
scs
__scs_entry_jumppad:
0x0: {  	(pc) =	sbr.rel $0x88, $3  }
0x1: {  	(tag) =	ssettag $0x0;
	lr =	simm.s32 $0x1  }
0x2: {  	[smem:$0x3F9B] =	sst lr;
	_ =	strace $0xD0000000  }
0x3: {  	_ = 	snop  }
0x4: {  	_ = 	snop  }
0x5: {  	_ = 	snop  }
0x6: {  	_ = 	snop  }
0x7: {  	_ = 	snop  }
__scs_overlays_trampoline_lowered:
0x8: {  	[smem:$0x3FAA] =	sst s0  }
0x9: {  	[smem:$0x3FAB] =	sst s1  }
0xa: {  	[smem:$0x3FAC] =	sst s2  }
0xb: {  	[smem:$0x3FAD] =	sst s3  }
0xc: {  	[smem:$0x3FAE] =	sst s4  }
0xd: {  	[smem:$0x3FAF] =	sst s5  }
0xe: {  	[smem:$0x3FB0] =	sst s6  }
0xf: {  	[smem:$0x3FB1] =	sst s7  }
0x10: {  	[smem:$0x3FB2] =	sst s8  }
0x11: {  	[smem:$0x3FB3] =	sst s9;
	s0 =	simm.s32 @!p0 $0x0  }
0x12: {  	s1 =	sld [smem:$0x3F99];
	s0 =	simm.s32 @p0 $0x1  }
0x13: {  	[smem:$0x3FB4] =	sst s0;
	s0 =	simm.s32 @!p1 $0x0  }
0x14: {  	s2 =	sld [smem:$0x3F98];
	s0 =	simm.s32 @p1 $0x1  }
0x15: {  	[smem:$0x3FB5] =	sst s0;
	s0 =	simm.s32 @!p2 $0x0  }
0x16: {  	s3 =	sld [smem:$0x3FDB];
	s0 =	simm.s32 @p2 $0x1  }
0x17: {  	s4 =	simm.s32 $0x1BF5;
	[smem:$0x3FB7] =	sst s0  }
0x18: {  	s0 =	sld [smem:$0x3F9A];
	_ =	swait.ge [sflag:s4], $0x0  }
0x19: {  	s7 =	sld [smem:$0x3F9B]  }
0x1a: {  	s8 =	sadd.s32 $0xFFFFE003, lr  }
0x1b: {  	s9 =	sadd.s32 $0xFFFFFEF7, lr;
	s5 =	simm.s32 $0xFFFFFFFF;
	p2 =	slt.u32 s8, $0xFFFFF086  }
0x1c: {  	p1 =	slt.u32 s9, $0xF7A;
	s5 =	simm.s32 @!p2 $0x0  }
0x1d: {  	s5 =	simm.s32 @p1 $0x1;
	p0 =	seq.s32 s7, s2  }
0x1e: {  	s7 =	smul.u32 @!p0 $0xF7A, s2;
	p2 =	seq.s32 @!p0 s5, $0x0  }
0x1f: {  	s9 =	smul.u32 $0xF7A, s1;
	s8 =	simm.s32 @!p0 $0x1BF5;
	p2 =	por !p2, p0  }
0x20: {  	[sflag:s8] =	ssyncset.s32 @!p0 $0xFFFFF086;
	s6 =	sadd.s32 @!p0 s3, s7;
	s7 =	simm.s32 @!p0 $0x108  }
0x21: {  	s3 =	sadd.s32 s3, s9;
	s6 =	sadd.s32 @!p0 $0x88, s6;
	s7 =	simm.s32 @p2 $0x1082  }
0x22: {  	[simem:s7], [sflag:s8] =	dma.local @!p0 [hbm:s6], $0xF7A  }
0x23: {  	s9 =	sor.u32 $0xD0000000, s2;
	s6 =	simm.s32 $0x108;
	_ =	swait.ge @!p0 [sflag:s8], $0x0  }
0x24: {  	s3 =	sadd.s32 $0x88, s3;
	s6 =	simm.s32 @!p1 $0x1082;
	[sflag:s4] =	ssyncset.s32 $0xFFFFF086  }
0x25: {  	[simem:s6], [sflag:s4] =	dma.local [hbm:s3], $0xF7A  }
0x26: {  	[smem:$0x3F9B] =	sst s1;
	(tag) =	ssettag s2;
	_ =	strace s9  }
0x27: {  	s1 =	sld [smem:$0x3FAB]  }
0x28: {  	s2 =	sld [smem:$0x3FAC]  }
0x29: {  	s4 =	sld [smem:$0x3FAE]  }
0x2a: {  	p0 =	seq.s32 s5, $0x0;
	s5 =	sld [smem:$0x3FAF]  }
0x2b: {  	s6 =	sld [smem:$0x3FB0]  }
0x2c: {  	s7 =	sld [smem:$0x3FB1]  }
0x2d: {  	s3 =	simm.s32 $0x108;
	s8 =	sld [smem:$0x3FB2]  }
0x2e: {  	s3 =	simm.s32 @!p0 $0x1082;
	s9 =	sld [smem:$0x3FB3]  }
0x2f: {  	lr =	sadd.s32 s0, s3;
	s0 =	sld [smem:$0x3FAA]  }
0x30: {  	s3 =	sld [smem:$0x3FAD]  }
0x31: {  	[smem:$0x3FB6] =	sst s10  }
0x32: {  	s10 =	sld [smem:$0x3FB4];
	_ =	sdelay $0x3  }
0x33: {  	p0 =	seq.s32 s10, $0x1;
	s10 =	sld [smem:$0x3FB6];
	_ =	sdelay $0x3  }
0x34: {  	[smem:$0x3FB6] =	sst s10  }
0x35: {  	s10 =	sld [smem:$0x3FB5];
	_ =	sdelay $0x3  }
0x36: {  	p1 =	seq.s32 s10, $0x1;
	s10 =	sld [smem:$0x3FB6];
	_ =	sdelay $0x3  }
0x37: {  	[smem:$0x3FB6] =	sst s10  }
0x38: {  	s10 =	sld [smem:$0x3FB7]  }
0x39: {  	_ = 	snop;
	(pc) =	sbr.ind lr, $3  }
0x3a: {  	_ = 	snop  }
0x3b: {  	_ = 	snop  }
0x3c: {  	p2 =	seq.s32 s10, $0x1;
	s10 =	sld [smem:$0x3FB6]  }
0x3d: {  	_ =	shalt  }
0x3e: {  	_ =	shalt  }
0x3f: {  	_ =	shalt  }
0x40: {  	_ =	shalt  }
0x41: {  	_ =	shalt  }
0x42: {  	_ =	shalt  }
0x43: {  	_ =	shalt  }
0x44: {  	_ =	shalt  }
0x45: {  	_ =	shalt  }
0x46: {  	_ =	shalt  }
0x47: {  	_ =	shalt  }
0x48: {  	_ =	shalt  }
0x49: {  	_ =	shalt  }
0x4a: {  	_ =	shalt  }
0x4b: {  	_ =	shalt  }
0x4c: {  	_ =	shalt  }
0x4d: {  	_ =	shalt  }
0x4e: {  	_ =	shalt  }
0x4f: {  	_ =	shalt  }
0x50: {  	_ =	shalt  }
0x51: {  	_ =	shalt  }
0x52: {  	_ =	shalt  }
0x53: {  	_ =	shalt  }
0x54: {  	_ =	shalt  }
0x55: {  	_ =	shalt  }
0x56: {  	_ =	shalt  }
0x57: {  	_ =	shalt  }
0x58: {  	_ =	shalt  }
0x59: {  	_ =	shalt  }
0x5a: {  	_ =	shalt  }
0x5b: {  	_ =	shalt  }
0x5c: {  	_ =	shalt  }
0x5d: {  	_ =	shalt  }
0x5e: {  	_ =	shalt  }
0x5f: {  	_ =	shalt  }
0x60: {  	_ =	shalt  }
0x61: {  	_ =	shalt  }
0x62: {  	_ =	shalt  }
0x63: {  	_ =	shalt  }
0x64: {  	_ =	shalt  }
0x65: {  	_ =	shalt  }
0x66: {  	_ =	shalt  }
0x67: {  	_ =	shalt  }
0x68: {  	_ =	shalt  }
0x69: {  	_ =	shalt  }
0x6a: {  	_ =	shalt  }
0x6b: {  	_ =	shalt  }
0x6c: {  	_ =	shalt  }
0x6d: {  	_ =	shalt  }
0x6e: {  	_ =	shalt  }
0x6f: {  	_ =	shalt  }
0x70: {  	_ =	shalt  }
0x71: {  	_ =	shalt  }
0x72: {  	_ =	shalt  }
0x73: {  	_ =	shalt  }
0x74: {  	_ =	shalt  }
0x75: {  	_ =	shalt  }
0x76: {  	_ =	shalt  }
0x77: {  	_ =	shalt  }
0x78: {  	_ =	shalt  }
0x79: {  	_ =	shalt  }
0x7a: {  	_ =	shalt  }
0x7b: {  	_ =	shalt  }
0x7c: {  	_ =	shalt  }
0x7d: {  	_ =	shalt  }
0x7e: {  	_ =	shalt  }
0x7f: {  	_ =	shalt  }
0x80: {  	_ =	shalt  }
0x81: {  	_ =	shalt  }
0x82: {  	_ =	shalt  }
0x83: {  	_ =	shalt  }
0x84: {  	_ =	shalt  }
0x85: {  	_ =	shalt  }
0x86: {  	_ =	shalt  }
0x87: {  	_ =	shalt  }
.Lfunc_end0:
.L_simem_size_0:
called_computation.1_lowered:
.L_overlay_start_0:
0x88: {  	s2 =	sld [smem:$0x3FD9]  }
0x89: {  	s3 =	sld [smem:$0x3FFE];
	_ =	sdelay $0x1  }
0x8a: {  	s1 =	srdreg.scid  }
0x8b: {  	s0 =	sand.u32 $0x1, s1  }
0x8c: {  	s17 =	sshll.u32 s0, $0xA;
	s2 =	sadd.s32 s3, s2  }
0x8d: {  	s2 =	sadd.s32 s2, s17  }
0x8e: {  	[smem:$0x3FC2] =	sst s2  }
0x8f: {  	_ = 	snop  }
0x90: {  	s2 =	sld [smem:$0x3FD0];
	(tm) =	ssettm $0x1  }
0x91: {  	s18 =	sld [smem:$0x3FFB];
	_ =	sdelay $0x3  }
0x92: {  	_ =	strace s18  }
0x93: {  	s3 =	sld [smem:$0x3FFC];
	_ =	sdelay $0x3  }
0x94: {  	_ =	strace s3  }
0x95: {  	s3 =	sld [smem:$0x3FFD];
	_ =	sdelay $0x3  }
0x96: {  	_ =	strace s3  }
0x97: {  	_ =	strace $0x8FFFFFFF  }
0x98: {  	s19 =	sld [smem:$0x3FDB];
	_ =	sdelay $0x1  }
0x99: {  	s4 =	simm.s32 $_scs_section_size  }
0x9a: {  	s5 =	simm.s32 $_size__tile_overlayer_lowered;
	s6 =	simm.s32 $_tile_overlayer_lowered  }
0x9b: {  	s22 =	simm.s32 $0x1BFF;
	s21 =	sshll.u32 s6, $0x1;
	s3 =	sadd.s32 s4, s19  }
0x9c: {  	s7 =	simm.s32 $0x0;
	s20 =	sshll.u32 s5, $0x1;
	s5 =	sadd.s32 s21, s3  }
0x9d: {  	[timem:s7], [sflag:s22] =	dma.local [hbm:s5], s20  }
0x9e: {  	_ =	swait.ge [sflag:s22], s20  }
0x9f: {  	s4 =	ssub.s32 $0x0, s20;
	[sflag:s22] =	ssyncset.done $0x0  }
0xa0: {  	[sflag:s22] =	ssyncadd.s32 s4;
	_ =	sdelay $0x1  }
0xa1: {  	s23 =	simm.s32 $0x1B8B  }
0xa2: {  	_ =	swait.ge [sflag:s23], $0x1  }
0xa3: {  	[sflag:s23] =	ssyncset.done $0x0  }
0xa4: {  	s25 =	simm.s32 $0x1B8E;
	s24 =	sld [smem:$0x3FFE];
	[sflag:s23] =	ssyncadd.s32 $0xFFFFFFFF  }
0xa5: {  	s26 =	simm.s32 $execute0_lowered;
	[smem:$0x3FD2] =	sst s25  }
0xa6: {  	s5 =	sshll.u32 s26, $0x1;
	_ =	strace $0x80000049;
	[dreg:$0x1] =	wrdreg $0xFFFFFFFF  }
0xa7: {  	s28 =	simm.s32 $_size_execute0_lowered;
	s3 =	sadd.s32 s3, s5;
	[dreg:$0x0] =	wrdreg $0x0  }
0xa8: {  	s5 =	sshll.u32 s28, $0x1;
	[dreg:$0x2] =	wrdreg s3  }
0xa9: {  	[dreg:$0x3] =	wrdreg s5  }
0xaa: {  	[dreg:$0x4] =	wrdreg $0xC0  }
0xab: {  	_ =	task [dreg:s7], $0x5FFFF  }
0xac: {  	[dreg:$0x1] =	wrdreg $0xFFFFFFFF  }
0xad: {  	[dreg:$0x0] =	wrdreg $0x60  }
0xae: {  	[dreg:$0x2] =	wrdreg s24  }
0xaf: {  	[dreg:$0x3] =	wrdreg s2  }
0xb0: {  	[dreg:$0x4] =	wrdreg $0xA8000  }
0xb1: {  	[dreg:$0x5] =	wrdreg $0x9  }
0xb2: {  	_ =	task.clear_ibuf [dreg:s7], $0x6FFFF;
	_ =	strace $0x90000049  }
0xb3: {  	s29 =	simm.s32 $0x9;
	_ =	strace $0x8000004B  }
0xb4: {  	_ =	swait.ge [sflag:s29], $0x1  }
0xb5: {  	[sflag:s29] =	ssyncadd.s32 $0xFFFFFFFF  }
0xb6: {  	_ =	strace $0x9000004B  }
0xb7: {  	_ =	sfence  }
0xb8: {  	s30 =	sld [smem:$0x0];
	_ =	sdelay $0x2  }
0xb9: {  	s31 =	sshll.u32 s1, $0xD;
	s1 =	sshrl.u32 s1, $0x2  }
0xba: {  	s3 =	sand.u32 $0x4000, s31;
	s1 =	sadd.s32 s1, s30  }
0xbb: {  	s0 =	sor.u32 s3, s0;
	s1 =	sshll.u32 s1, $0x11  }
0xbc: {  	s0 =	sor.u32 s1, s0  }
0xbd: {  	s0 =	sadd.s32 $0x8F2B, s0  }
0xbe: {  	[sflag:s0] =	ssyncadd.remote.s32 $0x1  }
0xbf: {  	_ =	sfence.sel $0xFFFF  }
0xc0: {  	[dreg:$0x0] =	wrdreg $0xFFFFFFFF;
	(pc) =	sbr.abs _section_cstart, $3  }
0xc1: {  	[dreg:$0x1] =	wrdreg $0xFFFFFFFF  }
0xc2: {  	_ =	task.clear_ibuf [dreg:s7], $0x2FFFF;
	_ =	strace $0x9FFFFFFF  }
0xc3: {  	(tm) =	ssettm $0x7FFFFFFF  }
tec
execute0_lowered:
.L_overlay_start_1:
0x0: {  	(tag) =	ssettag $0x1  }
0x1: {  	s5 =	rddreg [dreg:$0x0]  }
0x2: {  	s11 =	rddreg [dreg:$0x1]  }
0x3: {  	s2 =	rddreg [dreg:$0x2]  }
0x4: {  	s0 =	rddreg [dreg:$0x3]  }
0x5: {  	s1 =	stileid.u32;
	s4 =	srdreg.scid  }
0x6: {  	s3 =	simm.s32 $0x0;
	s15 =	simm.s32 $0x1400;
	s16 =	simm.s32 $0x80  }
0x7: {  	s17 =	simm.s32 $0x2800;
	s18 =	simm.s32 $0x6800;
	s19 =	simm.s32 $0x1  }
0x8: {  	s20 =	simm.s32 $0x2;
	s21 =	simm.s32 $0x1380;
	s22 =	simm.s32 $0x2700  }
0x9: {  	s23 =	simm.s32 $0x2780;
	s6 =	smul.u32 $0x14000, s1;
	s7 =	sand.u32 $0x1, s4  }
0xa: {  	[smem:$0x7FF] =	sst s3;
	s4 =	sadd.s32 $0xC200, s5;
	s12 =	sadd.s32 $0x2200, s5  }
0xb: {  	s10 =	sshll.u32 s1, $0x1;
	s13 =	smul.u32 $0x50000, s1;
	s30 =	sshll.u32 s1, $0x6  }
0xc: {  	s8 =	smul.u32 $0x140000, s7;
	_ =	strace $0x8000004A;
	s25 =	ssub.s32 $0x2, s7  }
0xd: {  	s28 =	sor.u32 s7, s10;
	s9 =	sshrl.u32 s6, $0x3;
	s26 =	sshrl.u32 s25, $0x1  }
0xe: {  	s29 =	sshrl.u32 s13, $0x2;
	s10 =	smul.u32 $0x2800, s28;
	s6 =	sadd.s32 s6, s8  }
0xf: {  	s24 =	sadd.s32 s9, s5;
	s9 =	ssub.s32 s25, s26;
	s13 =	sadd.s32 s29, s2  }
0x10: {  	s6 =	sshrl.u32 s6, $0x3;
	s10 =	sshrl.u32 s10, $0x3;
	s8 =	smax.u32 s9, $0x1  }
0x11: {  	s13 =	sshrl.u32 s13, $0x3;
	s14 =	sadd.s32 s6, s5;
	s5 =	sadd.s32 $0x33400, s24  }
0x12: {  	s6 =	sor.u32 $0x1C03, s30;
	s9 =	sadd.s32 s11, s10;
	s31 =	sadd.s32 $0x280, s10  }
0x13: {  	s10 =	sadd.s32 s12, s10;
	s24 =	simm.s32 $0x0;
	s7 =	sadd.s32 $0x5B400, s14  }
0x14: {  	s11 =	sadd.s32 s11, s31;
	s12 =	sadd.s32 s12, s31;
	s14 =	simm.s32 $0x3  }
.LBB2_1:
0x15: {  	[spmem:s13], [sflag:s6] =	dma.local [hbm:s5], $0x2800  }
0x16: {  	_ =	swait.ge [sflag:s14], $0x2800  }
0x17: {  	[sflag:s14] =	ssyncset.done $0x0  }
0x18: {  	[sflag:s14] =	ssyncadd.s32 $0xFFFFD800  }
0x19: {  	[bflag:$0x0] =	sbarrier.arrive $0xFFFF  }
0x1a: {  	[tilespmem:s3], [sflag:$0x3] =	stream.linear.gather [hbm4b:s9+s3], $0x1400, $0x38;
	[tilespmem:$0x1E800] =	vst v63  }
0x1b: {  	_ =	swait.ge [sflag:s14], $0x1400  }
0x1c: {  	[sflag:s14] =	ssyncset.done $0x0  }
0x1d: {  	[sflag:s14] =	ssyncadd.s32 $0xFFFFEC00  }
0x1e: {  	[tilespmem:s15], [sflag:$0x3] =	stream.linear.gather [hbm4b:s10+s3], $0x1400, $0x38;
	[tilespmem:$0x1E800] =	vst v63  }
0x1f: {  	_ =	swait.ge [sflag:s14], $0x1400  }
0x20: {  	[sflag:s14] =	ssyncset.done $0x0  }
0x21: {  	[sflag:s14] =	ssyncadd.s32 $0xFFFFEC00  }
0x22: {  	[tilespmem:s17], [sflag:$0x1] =	stream.indirect.gather [hbm4b:s4+s16], $0x80, s3, s16, $0xb8;
	[tilespmem:$0x1E800] =	vst v63  }
0x23: {  	s25 =	simm.s32 $0x80  }
0x24: {  	[tilespmem:s18], [sflag:$0x2] =	stream.indirect.gather [hbm4b:s4+s16], $0x80, s25, s16, $0xb8;
	[tilespmem:$0x1E800] =	vst v63  }
0x25: {  	_ =	swait.ge [sflag:s19], $0x4000  }
0x26: {  	[sflag:s19] =	ssyncset.done $0x0  }
0x27: {  	s29 =	simm.s32 $0x1400;
	[sflag:s19] =	ssyncadd.s32 $0xFFFFC000  }
0x28: {  	[spmem:s2] =	stream.indirect.scatter.add.f32 [tilespmem:s17], [sflag:$0x3], $0x80, s29, s16, $0xb8;
	[tilespmem:$0x1E800] =	vst v63  }
0x29: {  	_ =	swait.ge [sflag:s14], $0x4000  }
0x2a: {  	[sflag:s14] =	ssyncset.done $0x0  }
0x2b: {  	s30 =	simm.s32 $0x100;
	[sflag:s14] =	ssyncadd.s32 $0xFFFFC000  }
0x2c: {  	[tilespmem:s17], [sflag:$0x1] =	stream.indirect.gather [hbm4b:s4+s16], $0x80, s30, s16, $0xb8;
	[tilespmem:$0x1E800] =	vst v63  }
0x2d: {  	_ =	swait.ge [sflag:s20], $0x4000  }
0x2e: {  	[sflag:s20] =	ssyncset.done $0x0  }
0x2f: {  	s31 =	simm.s32 $0x1480;
	[sflag:s20] =	ssyncadd.s32 $0xFFFFC000  }
0x30: {  	[spmem:s2] =	stream.indirect.scatter.add.f32 [tilespmem:s18], [sflag:$0x3], $0x80, s31, s16, $0xb8;
	[tilespmem:$0x1E800] =	vst v63  }
0x31: {  	_ =	swait.ge [sflag:s14], $0x4000  }
0x32: {  	s26 =	simm.s32 $0x800;
	s25 =	simm.s32 $0x100;
	[sflag:s14] =	ssyncset.done $0x0  }
.LBB2_2:
0x33: {  	s28 =	sadd.s32 $0x80, s25  }
0x34: {  	[sflag:s14] =	ssyncadd.s32 $0xFFFFC000;
	s29 =	smov.u32 s26;
	s30 =	sadd.s32 $0x400, s26  }
0x35: {  	[tilespmem:s18], [sflag:$0x2] =	stream.indirect.gather [hbm4b:s4+s16], $0x80, s28, s16, $0xb8;
	[tilespmem:$0x1E800] =	vst v63  }
0x36: {  	p0 =	sne.s32 s26, $0x4800;
	_ =	swait.ge [sflag:s19], $0x4000  }
0x37: {  	[sflag:s19] =	ssyncset.done $0x0  }
0x38: {  	s26 =	sadd.s32 $0x1400, s25;
	[sflag:s19] =	ssyncadd.s32 $0xFFFFC000  }
0x39: {  	[spmem:s2] =	stream.indirect.scatter.add.f32 [tilespmem:s17], [sflag:$0x3], $0x80, s26, s16, $0xb8;
	[tilespmem:$0x1E800] =	vst v63  }
0x3a: {  	_ =	swait.ge [sflag:s14], $0x4000  }
0x3b: {  	[sflag:s14] =	ssyncset.done $0x0  }
0x3c: {  	s26 =	sadd.s32 $0x100, s25;
	[sflag:s14] =	ssyncadd.s32 $0xFFFFC000  }
0x3d: {  	[tilespmem:s17], [sflag:$0x1] =	stream.indirect.gather [hbm4b:s4+s16], $0x80, s26, s16, $0xb8;
	[tilespmem:$0x1E800] =	vst v63  }
0x3e: {  	_ =	swait.ge [sflag:s20], $0x4000  }
.Ltmp0:
0x3f: {  	[sflag:s20] =	ssyncset.done $0x0;
	(pc) =	sbr.rel @p0 .LBB2_2-.Ltmp0, $4  }
0x40: {  	s25 =	sadd.s32 $0x1480, s25;
	[sflag:s20] =	ssyncadd.s32 $0xFFFFC000  }
0x41: {  	[spmem:s2] =	stream.indirect.scatter.add.f32 [tilespmem:s18], [sflag:$0x3], $0x80, s25, s16, $0xb8;
	[tilespmem:$0x1E800] =	vst v63  }
0x42: {  	_ =	swait.ge [sflag:s14], $0x4000  }
0x43: {  	s26 =	smov.u32 s30;
	s25 =	sshra.s32 s29, $0x2;
	[sflag:s14] =	ssyncset.done $0x0  }
0x44: {  	s26 =	sadd.s32 $0x80, s25;
	[sflag:s14] =	ssyncadd.s32 $0xFFFFC000  }
0x45: {  	[tilespmem:s18], [sflag:$0x2] =	stream.indirect.gather [hbm4b:s4+s16], $0x80, s26, s16, $0xb8;
	[tilespmem:$0x1E800] =	vst v63  }
0x46: {  	_ =	swait.ge [sflag:s19], $0x4000  }
0x47: {  	[sflag:s19] =	ssyncset.done $0x0  }
0x48: {  	s29 =	sadd.s32 $0x1400, s25;
	[sflag:s19] =	ssyncadd.s32 $0xFFFFC000  }
0x49: {  	[spmem:s2] =	stream.indirect.scatter.add.f32 [tilespmem:s17], [sflag:$0x3], $0x80, s29, s16, $0xb8;
	[tilespmem:$0x1E800] =	vst v63  }
0x4a: {  	_ =	swait.ge [sflag:s14], $0x4000  }
0x4b: {  	[sflag:s14] =	ssyncset.done $0x0  }
0x4c: {  	s30 =	sadd.s32 $0x100, s25;
	[sflag:s14] =	ssyncadd.s32 $0xFFFFC000  }
0x4d: {  	[tilespmem:s17], [sflag:$0x1] =	stream.indirect.gather [hbm4b:s4+s16], $0x80, s30, s16, $0xb8;
	[tilespmem:$0x1E800] =	vst v63  }
0x4e: {  	_ =	swait.ge [sflag:s20], $0x4000  }
0x4f: {  	[sflag:s20] =	ssyncset.done $0x0  }
0x50: {  	s31 =	sadd.s32 $0x1480, s25;
	[sflag:s20] =	ssyncadd.s32 $0xFFFFC000  }
0x51: {  	[spmem:s2] =	stream.indirect.scatter.add.f32 [tilespmem:s18], [sflag:$0x3], $0x80, s31, s16, $0xb8;
	[tilespmem:$0x1E800] =	vst v63  }
0x52: {  	_ =	swait.ge [sflag:s14], $0x4000  }
0x53: {  	[sflag:s14] =	ssyncset.done $0x0  }
0x54: {  	[sflag:s14] =	ssyncadd.s32 $0xFFFFC000  }
0x55: {  	[tilespmem:s18], [sflag:$0x2] =	stream.indirect.gather [hbm4b:s4+s16], $0x80, s21, s16, $0xb8;
	[tilespmem:$0x1E800] =	vst v63  }
0x56: {  	_ =	swait.ge [sflag:s19], $0x4000  }
0x57: {  	[sflag:s19] =	ssyncset.done $0x0  }
0x58: {  	[sflag:s19] =	ssyncadd.s32 $0xFFFFC000  }
0x59: {  	[spmem:s2] =	stream.indirect.scatter.add.f32 [tilespmem:s17], [sflag:$0x3], $0x80, s22, s16, $0xb8;
	[tilespmem:$0x1E800] =	vst v63  }
0x5a: {  	_ =	swait.ge [sflag:s14], $0x4000  }
0x5b: {  	[sflag:s14] =	ssyncset.done $0x0  }
0x5c: {  	[sflag:s14] =	ssyncadd.s32 $0xFFFFC000  }
0x5d: {  	_ =	swait.ge [sflag:s20], $0x4000  }
0x5e: {  	[sflag:s20] =	ssyncset.done $0x0  }
0x5f: {  	[sflag:s20] =	ssyncadd.s32 $0xFFFFC000  }
0x60: {  	[spmem:s2] =	stream.indirect.scatter.add.f32 [tilespmem:s18], [sflag:$0x3], $0x80, s23, s16, $0xb8;
	[tilespmem:$0x1E800] =	vst v63  }
0x61: {  	_ =	swait.ge [sflag:s14], $0x4000  }
0x62: {  	[sflag:s14] =	ssyncset.done $0x0  }
0x63: {  	s26 =	simm.s32 $0x0;
	[sflag:s14] =	ssyncadd.s32 $0xFFFFC000  }
0x64: {  	[tilespmem:s26], [sflag:$0x3] =	stream.linear.gather [hbm4b:s11+s26], $0x1400, $0x38;
	[tilespmem:$0x1E800] =	vst v63  }
0x65: {  	_ =	swait.ge [sflag:s14], $0x1400  }
0x66: {  	[sflag:s14] =	ssyncset.done $0x0  }
0x67: {  	[sflag:s14] =	ssyncadd.s32 $0xFFFFEC00  }
0x68: {  	[tilespmem:s15], [sflag:$0x3] =	stream.linear.gather [hbm4b:s12+s26], $0x1400, $0x38;
	[tilespmem:$0x1E800] =	vst v63  }
0x69: {  	_ =	swait.ge [sflag:s14], $0x1400  }
0x6a: {  	[sflag:s14] =	ssyncset.done $0x0  }
0x6b: {  	[sflag:s14] =	ssyncadd.s32 $0xFFFFEC00  }
0x6c: {  	[tilespmem:s17], [sflag:$0x1] =	stream.indirect.gather [hbm4b:s4+s16], $0x80, s26, s16, $0xb8;
	[tilespmem:$0x1E800] =	vst v63  }
0x6d: {  	s28 =	simm.s32 $0x80  }
0x6e: {  	[tilespmem:s18], [sflag:$0x2] =	stream.indirect.gather [hbm4b:s4+s16], $0x80, s28, s16, $0xb8;
	[tilespmem:$0x1E800] =	vst v63  }
0x6f: {  	_ =	swait.ge [sflag:s19], $0x4000  }
0x70: {  	[sflag:s19] =	ssyncset.done $0x0  }
0x71: {  	s29 =	simm.s32 $0x1400;
	[sflag:s19] =	ssyncadd.s32 $0xFFFFC000  }
0x72: {  	[spmem:s2] =	stream.indirect.scatter.add.f32 [tilespmem:s17], [sflag:$0x3], $0x80, s29, s16, $0xb8;
	[tilespmem:$0x1E800] =	vst v63  }
0x73: {  	_ =	swait.ge [sflag:s14], $0x4000  }
0x74: {  	[sflag:s14] =	ssyncset.done $0x0  }
0x75: {  	s30 =	simm.s32 $0x100;
	[sflag:s14] =	ssyncadd.s32 $0xFFFFC000  }
0x76: {  	[tilespmem:s17], [sflag:$0x1] =	stream.indirect.gather [hbm4b:s4+s16], $0x80, s30, s16, $0xb8;
	[tilespmem:$0x1E800] =	vst v63  }
0x77: {  	_ =	swait.ge [sflag:s20], $0x4000  }
0x78: {  	[sflag:s20] =	ssyncset.done $0x0  }
0x79: {  	s31 =	simm.s32 $0x1480;
	[sflag:s20] =	ssyncadd.s32 $0xFFFFC000  }
0x7a: {  	[spmem:s2] =	stream.indirect.scatter.add.f32 [tilespmem:s18], [sflag:$0x3], $0x80, s31, s16, $0xb8;
	[tilespmem:$0x1E800] =	vst v63  }
0x7b: {  	_ =	swait.ge [sflag:s14], $0x4000  }
0x7c: {  	s25 =	simm.s32 $0x100;
	s26 =	simm.s32 $0x800;
	[sflag:s14] =	ssyncset.done $0x0  }
.LBB2_4:
0x7d: {  	s28 =	sadd.s32 $0x80, s25  }
0x7e: {  	[sflag:s14] =	ssyncadd.s32 $0xFFFFC000;
	s29 =	smov.u32 s26;
	s30 =	sadd.s32 $0x400, s26  }
0x7f: {  	[tilespmem:s18], [sflag:$0x2] =	stream.indirect.gather [hbm4b:s4+s16], $0x80, s28, s16, $0xb8;
	[tilespmem:$0x1E800] =	vst v63  }
0x80: {  	p0 =	sne.s32 s26, $0x4800;
	_ =	swait.ge [sflag:s19], $0x4000  }
0x81: {  	[sflag:s19] =	ssyncset.done $0x0  }
0x82: {  	s26 =	sadd.s32 $0x1400, s25;
	[sflag:s19] =	ssyncadd.s32 $0xFFFFC000  }
0x83: {  	[spmem:s2] =	stream.indirect.scatter.add.f32 [tilespmem:s17], [sflag:$0x3], $0x80, s26, s16, $0xb8;
	[tilespmem:$0x1E800] =	vst v63  }
0x84: {  	_ =	swait.ge [sflag:s14], $0x4000  }
0x85: {  	[sflag:s14] =	ssyncset.done $0x0  }
0x86: {  	s26 =	sadd.s32 $0x100, s25;
	[sflag:s14] =	ssyncadd.s32 $0xFFFFC000  }
0x87: {  	[tilespmem:s17], [sflag:$0x1] =	stream.indirect.gather [hbm4b:s4+s16], $0x80, s26, s16, $0xb8;
	[tilespmem:$0x1E800] =	vst v63  }
0x88: {  	_ =	swait.ge [sflag:s20], $0x4000  }
.Ltmp1:
0x89: {  	[sflag:s20] =	ssyncset.done $0x0;
	(pc) =	sbr.rel @p0 .LBB2_4-.Ltmp1, $4  }
0x8a: {  	s25 =	sadd.s32 $0x1480, s25;
	[sflag:s20] =	ssyncadd.s32 $0xFFFFC000  }
0x8b: {  	[spmem:s2] =	stream.indirect.scatter.add.f32 [tilespmem:s18], [sflag:$0x3], $0x80, s25, s16, $0xb8;
	[tilespmem:$0x1E800] =	vst v63  }
0x8c: {  	_ =	swait.ge [sflag:s14], $0x4000  }
0x8d: {  	s26 =	smov.u32 s30;
	s25 =	sshra.s32 s29, $0x2;
	[sflag:s14] =	ssyncset.done $0x0  }
0x8e: {  	s26 =	sadd.s32 $0x80, s25;
	[sflag:s14] =	ssyncadd.s32 $0xFFFFC000  }
0x8f: {  	[tilespmem:s18], [sflag:$0x2] =	stream.indirect.gather [hbm4b:s4+s16], $0x80, s26, s16, $0xb8;
	[tilespmem:$0x1E800] =	vst v63  }
0x90: {  	_ =	swait.ge [sflag:s19], $0x4000  }
0x91: {  	[sflag:s19] =	ssyncset.done $0x0  }
0x92: {  	s29 =	sadd.s32 $0x1400, s25;
	[sflag:s19] =	ssyncadd.s32 $0xFFFFC000  }
0x93: {  	[spmem:s2] =	stream.indirect.scatter.add.f32 [tilespmem:s17], [sflag:$0x3], $0x80, s29, s16, $0xb8;
	[tilespmem:$0x1E800] =	vst v63  }
0x94: {  	_ =	swait.ge [sflag:s14], $0x4000  }
0x95: {  	[sflag:s14] =	ssyncset.done $0x0  }
0x96: {  	s30 =	sadd.s32 $0x100, s25;
	[sflag:s14] =	ssyncadd.s32 $0xFFFFC000  }
0x97: {  	[tilespmem:s17], [sflag:$0x1] =	stream.indirect.gather [hbm4b:s4+s16], $0x80, s30, s16, $0xb8;
	[tilespmem:$0x1E800] =	vst v63  }
0x98: {  	_ =	swait.ge [sflag:s20], $0x4000  }
0x99: {  	[sflag:s20] =	ssyncset.done $0x0  }
0x9a: {  	s31 =	sadd.s32 $0x1480, s25;
	[sflag:s20] =	ssyncadd.s32 $0xFFFFC000  }
0x9b: {  	[spmem:s2] =	stream.indirect.scatter.add.f32 [tilespmem:s18], [sflag:$0x3], $0x80, s31, s16, $0xb8;
	[tilespmem:$0x1E800] =	vst v63  }
0x9c: {  	_ =	swait.ge [sflag:s14], $0x4000  }
0x9d: {  	[sflag:s14] =	ssyncset.done $0x0  }
0x9e: {  	[sflag:s14] =	ssyncadd.s32 $0xFFFFC000  }
0x9f: {  	[tilespmem:s18], [sflag:$0x2] =	stream.indirect.gather [hbm4b:s4+s16], $0x80, s21, s16, $0xb8;
	[tilespmem:$0x1E800] =	vst v63  }
0xa0: {  	_ =	swait.ge [sflag:s19], $0x4000  }
0xa1: {  	[sflag:s19] =	ssyncset.done $0x0  }
0xa2: {  	[sflag:s19] =	ssyncadd.s32 $0xFFFFC000  }
0xa3: {  	[spmem:s2] =	stream.indirect.scatter.add.f32 [tilespmem:s17], [sflag:$0x3], $0x80, s22, s16, $0xb8;
	[tilespmem:$0x1E800] =	vst v63  }
0xa4: {  	_ =	swait.ge [sflag:s14], $0x4000  }
0xa5: {  	[sflag:s14] =	ssyncset.done $0x0  }
0xa6: {  	[sflag:s14] =	ssyncadd.s32 $0xFFFFC000  }
0xa7: {  	_ =	swait.ge [sflag:s20], $0x4000  }
0xa8: {  	[sflag:s20] =	ssyncset.done $0x0  }
0xa9: {  	[sflag:s20] =	ssyncadd.s32 $0xFFFFC000  }
0xaa: {  	[spmem:s2] =	stream.indirect.scatter.add.f32 [tilespmem:s18], [sflag:$0x3], $0x80, s23, s16, $0xb8;
	[tilespmem:$0x1E800] =	vst v63  }
0xab: {  	_ =	swait.ge [sflag:s14], $0x4000  }
0xac: {  	s24 =	sadd.s32 $0x1, s24;
	[sflag:s14] =	ssyncset.done $0x0  }
0xad: {  	p0 =	sne.s32 s24, s8;
	[sflag:s14] =	ssyncadd.s32 $0xFFFFC000  }
.Ltmp2:
0xae: {  	[bflag:$0x0] =	sbarrier.arrive $0xFFFF;
	(pc) =	sbr.rel @p0 .LBB2_1-.Ltmp2, $4  }
0xaf: {  	[hbm:s7], [sflag:s6] =	dma.local [spmem:s13], $0x2800  }
0xb0: {  	_ =	swait.ge [sflag:s14], $0x2800  }
0xb1: {  	[sflag:s14] =	ssyncset.done $0x0  }
0xb2: {  	[sflag:s14] =	ssyncadd.s32 $0xFFFFD800  }
0xb3: {  	_ =	sfence.sel $0x180000  }
0xb4: {  	[bflag:$0x0] =	sbarrier.arrive $0xFFFF  }
0xb5: {  	p0 =	sne.s32 s1, $0x0;
	_ =	strace $0x9000004A  }
0xb6: {  	s0 =	sadd.s32 @!p0 $0x100000, s0;
	[bflag:$0x2] =	sbarrier.arrive $0xFFFF  }
0xb7: {  	[sflag:s0] =	ssyncadd.tile.s32 @!p0 $0x1;
	_ =	shalt  }
.Lfunc_end2:
_tile_overlayer_lowered:
.L_overlay_start_2:
0xb8: {  	(tag) =	ssettag $0x2  }
0xb9: {  	s0 =	rddreg [dreg:$0x0];
	s2 =	stileid.u32  }
0xba: {  	s1 =	rddreg [dreg:$0x1];
	p0 =	sne.s32 s2, $0x0  }
0xbb: {  	s3 =	rddreg [dreg:$0x2];
	[bflag:$0x3] =	sbarrier.arrive $0xFFFF;
	s2 =	simm.s32 @!p0 $0x1C03  }
0xbc: {  	[timem:s3], [sflag:s2] =	dma.local @!p0 [hbm:s0], s1  }
0xbd: {  	s0 =	simm.s32 @!p0 $0x3  }
0xbe: {  	_ =	swait.ge @!p0 [sflag:s0], s1  }
0xbf: {  	s1 =	ssub.s32 @!p0 $0x0, s1;
	[sflag:s0] =	ssyncset.done @!p0 $0x0  }
0xc0: {  	[sflag:s0] =	ssyncadd.s32 @!p0 s1  }
0xc1: {  	[bflag:$0x3] =	sbarrier.arrive $0xFFFF  }
0xc2: {  	_ =	shalt  }

// kernel: kernel.14.cloned.1.call-start
scs
__scs_entry_jumppad:
0x0: {  	(pc) =	sbr.rel $0x88, $3  }
0x1: {  	(tag) =	ssettag $0x0;
	lr =	simm.s32 $0x1  }
0x2: {  	[smem:$0x3F9B] =	sst lr;
	_ =	strace $0xD0000000  }
0x3: {  	_ = 	snop  }
0x4: {  	_ = 	snop  }
0x5: {  	_ = 	snop  }
0x6: {  	_ = 	snop  }
0x7: {  	_ = 	snop  }
__scs_overlays_trampoline_lowered:
0x8: {  	[smem:$0x3FAA] =	sst s0  }
0x9: {  	[smem:$0x3FAB] =	sst s1  }
0xa: {  	[smem:$0x3FAC] =	sst s2  }
0xb: {  	[smem:$0x3FAD] =	sst s3  }
0xc: {  	[smem:$0x3FAE] =	sst s4  }
0xd: {  	[smem:$0x3FAF] =	sst s5  }
0xe: {  	[smem:$0x3FB0] =	sst s6  }
0xf: {  	[smem:$0x3FB1] =	sst s7  }
0x10: {  	[smem:$0x3FB2] =	sst s8  }
0x11: {  	[smem:$0x3FB3] =	sst s9;
	s0 =	simm.s32 @!p0 $0x0  }
0x12: {  	s1 =	sld [smem:$0x3F99];
	s0 =	simm.s32 @p0 $0x1  }
0x13: {  	[smem:$0x3FB4] =	sst s0;
	s0 =	simm.s32 @!p1 $0x0  }
0x14: {  	s2 =	sld [smem:$0x3F98];
	s0 =	simm.s32 @p1 $0x1  }
0x15: {  	[smem:$0x3FB5] =	sst s0;
	s0 =	simm.s32 @!p2 $0x0  }
0x16: {  	s3 =	sld [smem:$0x3FDB];
	s0 =	simm.s32 @p2 $0x1  }
0x17: {  	s4 =	simm.s32 $0x1BF5;
	[smem:$0x3FB7] =	sst s0  }
0x18: {  	s0 =	sld [smem:$0x3F9A];
	_ =	swait.ge [sflag:s4], $0x0  }
0x19: {  	s7 =	sld [smem:$0x3F9B]  }
0x1a: {  	s8 =	sadd.s32 $0xFFFFE003, lr  }
0x1b: {  	s9 =	sadd.s32 $0xFFFFFEF7, lr;
	s5 =	simm.s32 $0xFFFFFFFF;
	p2 =	slt.u32 s8, $0xFFFFF086  }
0x1c: {  	p1 =	slt.u32 s9, $0xF7A;
	s5 =	simm.s32 @!p2 $0x0  }
0x1d: {  	s5 =	simm.s32 @p1 $0x1;
	p0 =	seq.s32 s7, s2  }
0x1e: {  	s7 =	smul.u32 @!p0 $0xF7A, s2;
	p2 =	seq.s32 @!p0 s5, $0x0  }
0x1f: {  	s9 =	smul.u32 $0xF7A, s1;
	s8 =	simm.s32 @!p0 $0x1BF5;
	p2 =	por !p2, p0  }
0x20: {  	[sflag:s8] =	ssyncset.s32 @!p0 $0xFFFFF086;
	s6 =	sadd.s32 @!p0 s3, s7;
	s7 =	simm.s32 @!p0 $0x108  }
0x21: {  	s3 =	sadd.s32 s3, s9;
	s6 =	sadd.s32 @!p0 $0x88, s6;
	s7 =	simm.s32 @p2 $0x1082  }
0x22: {  	[simem:s7], [sflag:s8] =	dma.local @!p0 [hbm:s6], $0xF7A  }
0x23: {  	s9 =	sor.u32 $0xD0000000, s2;
	s6 =	simm.s32 $0x108;
	_ =	swait.ge @!p0 [sflag:s8], $0x0  }
0x24: {  	s3 =	sadd.s32 $0x88, s3;
	s6 =	simm.s32 @!p1 $0x1082;
	[sflag:s4] =	ssyncset.s32 $0xFFFFF086  }
0x25: {  	[simem:s6], [sflag:s4] =	dma.local [hbm:s3], $0xF7A  }
0x26: {  	[smem:$0x3F9B] =	sst s1;
	(tag) =	ssettag s2;
	_ =	strace s9  }
0x27: {  	s1 =	sld [smem:$0x3FAB]  }
0x28: {  	s2 =	sld [smem:$0x3FAC]  }
0x29: {  	s4 =	sld [smem:$0x3FAE]  }
0x2a: {  	p0 =	seq.s32 s5, $0x0;
	s5 =	sld [smem:$0x3FAF]  }
0x2b: {  	s6 =	sld [smem:$0x3FB0]  }
0x2c: {  	s7 =	sld [smem:$0x3FB1]  }
0x2d: {  	s3 =	simm.s32 $0x108;
	s8 =	sld [smem:$0x3FB2]  }
0x2e: {  	s3 =	simm.s32 @!p0 $0x1082;
	s9 =	sld [smem:$0x3FB3]  }
0x2f: {  	lr =	sadd.s32 s0, s3;
	s0 =	sld [smem:$0x3FAA]  }
0x30: {  	s3 =	sld [smem:$0x3FAD]  }
0x31: {  	[smem:$0x3FB6] =	sst s10  }
0x32: {  	s10 =	sld [smem:$0x3FB4];
	_ =	sdelay $0x3  }
0x33: {  	p0 =	seq.s32 s10, $0x1;
	s10 =	sld [smem:$0x3FB6];
	_ =	sdelay $0x3  }
0x34: {  	[smem:$0x3FB6] =	sst s10  }
0x35: {  	s10 =	sld [smem:$0x3FB5];
	_ =	sdelay $0x3  }
0x36: {  	p1 =	seq.s32 s10, $0x1;
	s10 =	sld [smem:$0x3FB6];
	_ =	sdelay $0x3  }
0x37: {  	[smem:$0x3FB6] =	sst s10  }
0x38: {  	s10 =	sld [smem:$0x3FB7]  }
0x39: {  	_ = 	snop;
	(pc) =	sbr.ind lr, $3  }
0x3a: {  	_ = 	snop  }
0x3b: {  	_ = 	snop  }
0x3c: {  	p2 =	seq.s32 s10, $0x1;
	s10 =	sld [smem:$0x3FB6]  }
0x3d: {  	_ =	shalt  }
0x3e: {  	_ =	shalt  }
0x3f: {  	_ =	shalt  }
0x40: {  	_ =	shalt  }
0x41: {  	_ =	shalt  }
0x42: {  	_ =	shalt  }
0x43: {  	_ =	shalt  }
0x44: {  	_ =	shalt  }
0x45: {  	_ =	shalt  }
0x46: {  	_ =	shalt  }
0x47: {  	_ =	shalt  }
0x48: {  	_ =	shalt  }
0x49: {  	_ =	shalt  }
0x4a: {  	_ =	shalt  }
0x4b: {  	_ =	shalt  }
0x4c: {  	_ =	shalt  }
0x4d: {  	_ =	shalt  }
0x4e: {  	_ =	shalt  }
0x4f: {  	_ =	shalt  }
0x50: {  	_ =	shalt  }
0x51: {  	_ =	shalt  }
0x52: {  	_ =	shalt  }
0x53: {  	_ =	shalt  }
0x54: {  	_ =	shalt  }
0x55: {  	_ =	shalt  }
0x56: {  	_ =	shalt  }
0x57: {  	_ =	shalt  }
0x58: {  	_ =	shalt  }
0x59: {  	_ =	shalt  }
0x5a: {  	_ =	shalt  }
0x5b: {  	_ =	shalt  }
0x5c: {  	_ =	shalt  }
0x5d: {  	_ =	shalt  }
0x5e: {  	_ =	shalt  }
0x5f: {  	_ =	shalt  }
0x60: {  	_ =	shalt  }
0x61: {  	_ =	shalt  }
0x62: {  	_ =	shalt  }
0x63: {  	_ =	shalt  }
0x64: {  	_ =	shalt  }
0x65: {  	_ =	shalt  }
0x66: {  	_ =	shalt  }
0x67: {  	_ =	shalt  }
0x68: {  	_ =	shalt  }
0x69: {  	_ =	shalt  }
0x6a: {  	_ =	shalt  }
0x6b: {  	_ =	shalt  }
0x6c: {  	_ =	shalt  }
0x6d: {  	_ =	shalt  }
0x6e: {  	_ =	shalt  }
0x6f: {  	_ =	shalt  }
0x70: {  	_ =	shalt  }
0x71: {  	_ =	shalt  }
0x72: {  	_ =	shalt  }
0x73: {  	_ =	shalt  }
0x74: {  	_ =	shalt  }
0x75: {  	_ =	shalt  }
0x76: {  	_ =	shalt  }
0x77: {  	_ =	shalt  }
0x78: {  	_ =	shalt  }
0x79: {  	_ =	shalt  }
0x7a: {  	_ =	shalt  }
0x7b: {  	_ =	shalt  }
0x7c: {  	_ =	shalt  }
0x7d: {  	_ =	shalt  }
0x7e: {  	_ =	shalt  }
0x7f: {  	_ =	shalt  }
0x80: {  	_ =	shalt  }
0x81: {  	_ =	shalt  }
0x82: {  	_ =	shalt  }
0x83: {  	_ =	shalt  }
0x84: {  	_ =	shalt  }
0x85: {  	_ =	shalt  }
0x86: {  	_ =	shalt  }
0x87: {  	_ =	shalt  }
.Lfunc_end0:
.L_simem_size_0:
called_computation.2_lowered:
.L_overlay_start_0:
0x88: {  	s2 =	sld [smem:$0x3FD9]  }
0x89: {  	s3 =	sld [smem:$0x3FFE];
	_ =	sdelay $0x1  }
0x8a: {  	s1 =	srdreg.scid  }
0x8b: {  	s0 =	sand.u32 $0x1, s1  }
0x8c: {  	s17 =	sshll.u32 s0, $0xA;
	s2 =	sadd.s32 s3, s2  }
0x8d: {  	s2 =	sadd.s32 s2, s17  }
0x8e: {  	[smem:$0x3FC2] =	sst s2  }
0x8f: {  	_ = 	snop  }
0x90: {  	s2 =	sld [smem:$0x3FD0];
	(tm) =	ssettm $0x1  }
0x91: {  	s18 =	sld [smem:$0x3FFB];
	_ =	sdelay $0x3  }
0x92: {  	_ =	strace s18  }
0x93: {  	s3 =	sld [smem:$0x3FFC];
	_ =	sdelay $0x3  }
0x94: {  	_ =	strace s3  }
0x95: {  	s3 =	sld [smem:$0x3FFD];
	_ =	sdelay $0x3  }
0x96: {  	_ =	strace s3  }
0x97: {  	_ =	strace $0x8FFFFFFF  }
0x98: {  	s19 =	sld [smem:$0x3FDB];
	_ =	sdelay $0x1  }
0x99: {  	s4 =	simm.s32 $_scs_section_size  }
0x9a: {  	s5 =	simm.s32 $_size__tile_overlayer_lowered;
	s6 =	simm.s32 $_tile_overlayer_lowered  }
0x9b: {  	s22 =	simm.s32 $0x1BFF;
	s21 =	sshll.u32 s6, $0x1;
	s3 =	sadd.s32 s4, s19  }
0x9c: {  	s7 =	simm.s32 $0x0;
	s20 =	sshll.u32 s5, $0x1;
	s5 =	sadd.s32 s21, s3  }
0x9d: {  	[timem:s7], [sflag:s22] =	dma.local [hbm:s5], s20  }
0x9e: {  	_ =	swait.ge [sflag:s22], s20  }
0x9f: {  	s4 =	ssub.s32 $0x0, s20;
	[sflag:s22] =	ssyncset.done $0x0  }
0xa0: {  	[sflag:s22] =	ssyncadd.s32 s4;
	_ =	sdelay $0x1  }
0xa1: {  	s23 =	simm.s32 $0x1B8B  }
0xa2: {  	_ =	swait.ge [sflag:s23], $0x1  }
0xa3: {  	[sflag:s23] =	ssyncset.done $0x0  }
0xa4: {  	s25 =	simm.s32 $0x1B8E;
	s24 =	sld [smem:$0x3FFE];
	[sflag:s23] =	ssyncadd.s32 $0xFFFFFFFF  }
0xa5: {  	s26 =	simm.s32 $execute0_lowered;
	[smem:$0x3FD2] =	sst s25  }
0xa6: {  	s5 =	sshll.u32 s26, $0x1;
	_ =	strace $0x8000004C;
	[dreg:$0x1] =	wrdreg $0xFFFFFFFF  }
0xa7: {  	s28 =	simm.s32 $_size_execute0_lowered;
	s3 =	sadd.s32 s3, s5;
	[dreg:$0x0] =	wrdreg $0x0  }
0xa8: {  	s5 =	sshll.u32 s28, $0x1;
	[dreg:$0x2] =	wrdreg s3  }
0xa9: {  	[dreg:$0x3] =	wrdreg s5  }
0xaa: {  	[dreg:$0x4] =	wrdreg $0xC0  }
0xab: {  	_ =	task [dreg:s7], $0x5FFFF  }
0xac: {  	[dreg:$0x1] =	wrdreg $0xFFFFFFFF  }
0xad: {  	[dreg:$0x0] =	wrdreg $0x60  }
0xae: {  	[dreg:$0x2] =	wrdreg s24  }
0xaf: {  	[dreg:$0x3] =	wrdreg s2  }
0xb0: {  	[dreg:$0x4] =	wrdreg $0xA8000  }
0xb1: {  	[dreg:$0x5] =	wrdreg $0x9  }
0xb2: {  	_ =	task.clear_ibuf [dreg:s7], $0x6FFFF;
	_ =	strace $0x9000004C  }
0xb3: {  	s29 =	simm.s32 $0x9;
	_ =	strace $0x8000004E  }
0xb4: {  	_ =	swait.ge [sflag:s29], $0x1  }
0xb5: {  	[sflag:s29] =	ssyncadd.s32 $0xFFFFFFFF  }
0xb6: {  	_ =	strace $0x9000004E  }
0xb7: {  	_ =	sfence  }
0xb8: {  	s30 =	sld [smem:$0x0];
	_ =	sdelay $0x2  }
0xb9: {  	s31 =	sshll.u32 s1, $0xD;
	s1 =	sshrl.u32 s1, $0x2  }
0xba: {  	s3 =	sand.u32 $0x4000, s31;
	s1 =	sadd.s32 s1, s30  }
0xbb: {  	s0 =	sor.u32 s3, s0;
	s1 =	sshll.u32 s1, $0x11  }
0xbc: {  	s0 =	sor.u32 s1, s0  }
0xbd: {  	s0 =	sadd.s32 $0x8F2B, s0  }
0xbe: {  	[sflag:s0] =	ssyncadd.remote.s32 $0x1  }
0xbf: {  	_ =	sfence.sel $0xFFFF  }
0xc0: {  	[dreg:$0x0] =	wrdreg $0xFFFFFFFF;
	(pc) =	sbr.abs _section_cstart, $3  }
0xc1: {  	[dreg:$0x1] =	wrdreg $0xFFFFFFFF  }
0xc2: {  	_ =	task.clear_ibuf [dreg:s7], $0x2FFFF;
	_ =	strace $0x9FFFFFFF  }
0xc3: {  	(tm) =	ssettm $0x7FFFFFFF  }
tec
execute0_lowered:
.L_overlay_start_1:
0x0: {  	(tag) =	ssettag $0x1  }
0x1: {  	s5 =	rddreg [dreg:$0x0]  }
0x2: {  	s11 =	rddreg [dreg:$0x1]  }
0x3: {  	s2 =	rddreg [dreg:$0x2]  }
0x4: {  	s0 =	rddreg [dreg:$0x3]  }
0x5: {  	s1 =	stileid.u32;
	s4 =	srdreg.scid  }
0x6: {  	s3 =	simm.s32 $0x0;
	s15 =	simm.s32 $0x1400;
	s16 =	simm.s32 $0x80  }
0x7: {  	s17 =	simm.s32 $0x2800;
	s18 =	simm.s32 $0x6800;
	s19 =	simm.s32 $0x1  }
0x8: {  	s20 =	simm.s32 $0x2;
	s21 =	simm.s32 $0x1380;
	s22 =	simm.s32 $0x2700  }
0x9: {  	s23 =	simm.s32 $0x2780;
	s6 =	smul.u32 $0x14000, s1;
	s7 =	sand.u32 $0x1, s4  }
0xa: {  	[smem:$0x7FF] =	sst s3;
	s4 =	sadd.s32 $0xC200, s5;
	s12 =	sadd.s32 $0x2200, s5  }
0xb: {  	s10 =	sshll.u32 s1, $0x1;
	s13 =	smul.u32 $0x50000, s1;
	s30 =	sshll.u32 s1, $0x6  }
0xc: {  	s8 =	smul.u32 $0x140000, s7;
	_ =	strace $0x8000004D;
	s25 =	ssub.s32 $0x2, s7  }
0xd: {  	s28 =	sor.u32 s7, s10;
	s9 =	sshrl.u32 s6, $0x3;
	s26 =	sshrl.u32 s25, $0x1  }
0xe: {  	s29 =	sshrl.u32 s13, $0x2;
	s10 =	smul.u32 $0x2800, s28;
	s6 =	sadd.s32 s6, s8  }
0xf: {  	s24 =	sadd.s32 s9, s5;
	s9 =	ssub.s32 s25, s26;
	s13 =	sadd.s32 s29, s2  }
0x10: {  	s6 =	sshrl.u32 s6, $0x3;
	s10 =	sshrl.u32 s10, $0x3;
	s8 =	smax.u32 s9, $0x1  }
0x11: {  	s13 =	sshrl.u32 s13, $0x3;
	s14 =	sadd.s32 s6, s5;
	s5 =	sadd.s32 $0x33400, s24  }
0x12: {  	s6 =	sor.u32 $0x1C03, s30;
	s9 =	sadd.s32 s11, s10;
	s31 =	sadd.s32 $0x280, s10  }
0x13: {  	s10 =	sadd.s32 s12, s10;
	s24 =	simm.s32 $0x0;
	s7 =	sadd.s32 $0x5B400, s14  }
0x14: {  	s11 =	sadd.s32 s11, s31;
	s12 =	sadd.s32 s12, s31;
	s14 =	simm.s32 $0x3  }
.LBB2_1:
0x15: {  	[spmem:s13], [sflag:s6] =	dma.local [hbm:s5], $0x2800  }
0x16: {  	_ =	swait.ge [sflag:s14], $0x2800  }
0x17: {  	[sflag:s14] =	ssyncset.done $0x0  }
0x18: {  	[sflag:s14] =	ssyncadd.s32 $0xFFFFD800  }
0x19: {  	[bflag:$0x0] =	sbarrier.arrive $0xFFFF  }
0x1a: {  	[tilespmem:s3], [sflag:$0x3] =	stream.linear.gather [hbm4b:s9+s3], $0x1400, $0x38;
	[tilespmem:$0x1E800] =	vst v63  }
0x1b: {  	_ =	swait.ge [sflag:s14], $0x1400  }
0x1c: {  	[sflag:s14] =	ssyncset.done $0x0  }
0x1d: {  	[sflag:s14] =	ssyncadd.s32 $0xFFFFEC00  }
0x1e: {  	[tilespmem:s15], [sflag:$0x3] =	stream.linear.gather [hbm4b:s10+s3], $0x1400, $0x38;
	[tilespmem:$0x1E800] =	vst v63  }
0x1f: {  	_ =	swait.ge [sflag:s14], $0x1400  }
0x20: {  	[sflag:s14] =	ssyncset.done $0x0  }
0x21: {  	[sflag:s14] =	ssyncadd.s32 $0xFFFFEC00  }
0x22: {  	[tilespmem:s17], [sflag:$0x1] =	stream.indirect.gather [hbm4b:s4+s16], $0x80, s3, s16, $0xb8;
	[tilespmem:$0x1E800] =	vst v63  }
0x23: {  	s25 =	simm.s32 $0x80  }
0x24: {  	[tilespmem:s18], [sflag:$0x2] =	stream.indirect.gather [hbm4b:s4+s16], $0x80, s25, s16, $0xb8;
	[tilespmem:$0x1E800] =	vst v63  }
0x25: {  	_ =	swait.ge [sflag:s19], $0x4000  }
0x26: {  	[sflag:s19] =	ssyncset.done $0x0  }
0x27: {  	s29 =	simm.s32 $0x1400;
	[sflag:s19] =	ssyncadd.s32 $0xFFFFC000  }
0x28: {  	[spmem:s2] =	stream.indirect.scatter.add.f32 [tilespmem:s17], [sflag:$0x3], $0x80, s29, s16, $0xb8;
	[tilespmem:$0x1E800] =	vst v63  }
0x29: {  	_ =	swait.ge [sflag:s14], $0x4000  }
0x2a: {  	[sflag:s14] =	ssyncset.done $0x0  }
0x2b: {  	s30 =	simm.s32 $0x100;
	[sflag:s14] =	ssyncadd.s32 $0xFFFFC000  }
0x2c: {  	[tilespmem:s17], [sflag:$0x1] =	stream.indirect.gather [hbm4b:s4+s16], $0x80, s30, s16, $0xb8;
	[tilespmem:$0x1E800] =	vst v63  }
0x2d: {  	_ =	swait.ge [sflag:s20], $0x4000  }
0x2e: {  	[sflag:s20] =	ssyncset.done $0x0  }
0x2f: {  	s31 =	simm.s32 $0x1480;
	[sflag:s20] =	ssyncadd.s32 $0xFFFFC000  }
0x30: {  	[spmem:s2] =	stream.indirect.scatter.add.f32 [tilespmem:s18], [sflag:$0x3], $0x80, s31, s16, $0xb8;
	[tilespmem:$0x1E800] =	vst v63  }
0x31: {  	_ =	swait.ge [sflag:s14], $0x4000  }
0x32: {  	s26 =	simm.s32 $0x800;
	s25 =	simm.s32 $0x100;
	[sflag:s14] =	ssyncset.done $0x0  }
.LBB2_2:
0x33: {  	s28 =	sadd.s32 $0x80, s25  }
0x34: {  	[sflag:s14] =	ssyncadd.s32 $0xFFFFC000;
	s29 =	smov.u32 s26;
	s30 =	sadd.s32 $0x400, s26  }
0x35: {  	[tilespmem:s18], [sflag:$0x2] =	stream.indirect.gather [hbm4b:s4+s16], $0x80, s28, s16, $0xb8;
	[tilespmem:$0x1E800] =	vst v63  }
0x36: {  	p0 =	sne.s32 s26, $0x4800;
	_ =	swait.ge [sflag:s19], $0x4000  }
0x37: {  	[sflag:s19] =	ssyncset.done $0x0  }
0x38: {  	s26 =	sadd.s32 $0x1400, s25;
	[sflag:s19] =	ssyncadd.s32 $0xFFFFC000  }
0x39: {  	[spmem:s2] =	stream.indirect.scatter.add.f32 [tilespmem:s17], [sflag:$0x3], $0x80, s26, s16, $0xb8;
	[tilespmem:$0x1E800] =	vst v63  }
0x3a: {  	_ =	swait.ge [sflag:s14], $0x4000  }
0x3b: {  	[sflag:s14] =	ssyncset.done $0x0  }
0x3c: {  	s26 =	sadd.s32 $0x100, s25;
	[sflag:s14] =	ssyncadd.s32 $0xFFFFC000  }
0x3d: {  	[tilespmem:s17], [sflag:$0x1] =	stream.indirect.gather [hbm4b:s4+s16], $0x80, s26, s16, $0xb8;
	[tilespmem:$0x1E800] =	vst v63  }
0x3e: {  	_ =	swait.ge [sflag:s20], $0x4000  }
.Ltmp0:
0x3f: {  	[sflag:s20] =	ssyncset.done $0x0;
	(pc) =	sbr.rel @p0 .LBB2_2-.Ltmp0, $4  }
0x40: {  	s25 =	sadd.s32 $0x1480, s25;
	[sflag:s20] =	ssyncadd.s32 $0xFFFFC000  }
0x41: {  	[spmem:s2] =	stream.indirect.scatter.add.f32 [tilespmem:s18], [sflag:$0x3], $0x80, s25, s16, $0xb8;
	[tilespmem:$0x1E800] =	vst v63  }
0x42: {  	_ =	swait.ge [sflag:s14], $0x4000  }
0x43: {  	s26 =	smov.u32 s30;
	s25 =	sshra.s32 s29, $0x2;
	[sflag:s14] =	ssyncset.done $0x0  }
0x44: {  	s26 =	sadd.s32 $0x80, s25;
	[sflag:s14] =	ssyncadd.s32 $0xFFFFC000  }
0x45: {  	[tilespmem:s18], [sflag:$0x2] =	stream.indirect.gather [hbm4b:s4+s16], $0x80, s26, s16, $0xb8;
	[tilespmem:$0x1E800] =	vst v63  }
0x46: {  	_ =	swait.ge [sflag:s19], $0x4000  }
0x47: {  	[sflag:s19] =	ssyncset.done $0x0  }
0x48: {  	s29 =	sadd.s32 $0x1400, s25;
	[sflag:s19] =	ssyncadd.s32 $0xFFFFC000  }
0x49: {  	[spmem:s2] =	stream.indirect.scatter.add.f32 [tilespmem:s17], [sflag:$0x3], $0x80, s29, s16, $0xb8;
	[tilespmem:$0x1E800] =	vst v63  }
0x4a: {  	_ =	swait.ge [sflag:s14], $0x4000  }
0x4b: {  	[sflag:s14] =	ssyncset.done $0x0  }
0x4c: {  	s30 =	sadd.s32 $0x100, s25;
	[sflag:s14] =	ssyncadd.s32 $0xFFFFC000  }
0x4d: {  	[tilespmem:s17], [sflag:$0x1] =	stream.indirect.gather [hbm4b:s4+s16], $0x80, s30, s16, $0xb8;
	[tilespmem:$0x1E800] =	vst v63  }
0x4e: {  	_ =	swait.ge [sflag:s20], $0x4000  }
0x4f: {  	[sflag:s20] =	ssyncset.done $0x0  }
0x50: {  	s31 =	sadd.s32 $0x1480, s25;
	[sflag:s20] =	ssyncadd.s32 $0xFFFFC000  }
0x51: {  	[spmem:s2] =	stream.indirect.scatter.add.f32 [tilespmem:s18], [sflag:$0x3], $0x80, s31, s16, $0xb8;
	[tilespmem:$0x1E800] =	vst v63  }
0x52: {  	_ =	swait.ge [sflag:s14], $0x4000  }
0x53: {  	[sflag:s14] =	ssyncset.done $0x0  }
0x54: {  	[sflag:s14] =	ssyncadd.s32 $0xFFFFC000  }
0x55: {  	[tilespmem:s18], [sflag:$0x2] =	stream.indirect.gather [hbm4b:s4+s16], $0x80, s21, s16, $0xb8;
	[tilespmem:$0x1E800] =	vst v63  }
0x56: {  	_ =	swait.ge [sflag:s19], $0x4000  }
0x57: {  	[sflag:s19] =	ssyncset.done $0x0  }
0x58: {  	[sflag:s19] =	ssyncadd.s32 $0xFFFFC000  }
0x59: {  	[spmem:s2] =	stream.indirect.scatter.add.f32 [tilespmem:s17], [sflag:$0x3], $0x80, s22, s16, $0xb8;
	[tilespmem:$0x1E800] =	vst v63  }
0x5a: {  	_ =	swait.ge [sflag:s14], $0x4000  }
0x5b: {  	[sflag:s14] =	ssyncset.done $0x0  }
0x5c: {  	[sflag:s14] =	ssyncadd.s32 $0xFFFFC000  }
0x5d: {  	_ =	swait.ge [sflag:s20], $0x4000  }
0x5e: {  	[sflag:s20] =	ssyncset.done $0x0  }
0x5f: {  	[sflag:s20] =	ssyncadd.s32 $0xFFFFC000  }
0x60: {  	[spmem:s2] =	stream.indirect.scatter.add.f32 [tilespmem:s18], [sflag:$0x3], $0x80, s23, s16, $0xb8;
	[tilespmem:$0x1E800] =	vst v63  }
0x61: {  	_ =	swait.ge [sflag:s14], $0x4000  }
0x62: {  	[sflag:s14] =	ssyncset.done $0x0  }
0x63: {  	s26 =	simm.s32 $0x0;
	[sflag:s14] =	ssyncadd.s32 $0xFFFFC000  }
0x64: {  	[tilespmem:s26], [sflag:$0x3] =	stream.linear.gather [hbm4b:s11+s26], $0x1400, $0x38;
	[tilespmem:$0x1E800] =	vst v63  }
0x65: {  	_ =	swait.ge [sflag:s14], $0x1400  }
0x66: {  	[sflag:s14] =	ssyncset.done $0x0  }
0x67: {  	[sflag:s14] =	ssyncadd.s32 $0xFFFFEC00  }
0x68: {  	[tilespmem:s15], [sflag:$0x3] =	stream.linear.gather [hbm4b:s12+s26], $0x1400, $0x38;
	[tilespmem:$0x1E800] =	vst v63  }
0x69: {  	_ =	swait.ge [sflag:s14], $0x1400  }
0x6a: {  	[sflag:s14] =	ssyncset.done $0x0  }
0x6b: {  	[sflag:s14] =	ssyncadd.s32 $0xFFFFEC00  }
0x6c: {  	[tilespmem:s17], [sflag:$0x1] =	stream.indirect.gather [hbm4b:s4+s16], $0x80, s26, s16, $0xb8;
	[tilespmem:$0x1E800] =	vst v63  }
0x6d: {  	s28 =	simm.s32 $0x80  }
0x6e: {  	[tilespmem:s18], [sflag:$0x2] =	stream.indirect.gather [hbm4b:s4+s16], $0x80, s28, s16, $0xb8;
	[tilespmem:$0x1E800] =	vst v63  }
0x6f: {  	_ =	swait.ge [sflag:s19], $0x4000  }
0x70: {  	[sflag:s19] =	ssyncset.done $0x0  }
0x71: {  	s29 =	simm.s32 $0x1400;
	[sflag:s19] =	ssyncadd.s32 $0xFFFFC000  }
0x72: {  	[spmem:s2] =	stream.indirect.scatter.add.f32 [tilespmem:s17], [sflag:$0x3], $0x80, s29, s16, $0xb8;
	[tilespmem:$0x1E800] =	vst v63  }
0x73: {  	_ =	swait.ge [sflag:s14], $0x4000  }
0x74: {  	[sflag:s14] =	ssyncset.done $0x0  }
0x75: {  	s30 =	simm.s32 $0x100;
	[sflag:s14] =	ssyncadd.s32 $0xFFFFC000  }
0x76: {  	[tilespmem:s17], [sflag:$0x1] =	stream.indirect.gather [hbm4b:s4+s16], $0x80, s30, s16, $0xb8;
	[tilespmem:$0x1E800] =	vst v63  }
0x77: {  	_ =	swait.ge [sflag:s20], $0x4000  }
0x78: {  	[sflag:s20] =	ssyncset.done $0x0  }
0x79: {  	s31 =	simm.s32 $0x1480;
	[sflag:s20] =	ssyncadd.s32 $0xFFFFC000  }
0x7a: {  	[spmem:s2] =	stream.indirect.scatter.add.f32 [tilespmem:s18], [sflag:$0x3], $0x80, s31, s16, $0xb8;
	[tilespmem:$0x1E800] =	vst v63  }
0x7b: {  	_ =	swait.ge [sflag:s14], $0x4000  }
0x7c: {  	s25 =	simm.s32 $0x100;
	s26 =	simm.s32 $0x800;
	[sflag:s14] =	ssyncset.done $0x0  }
.LBB2_4:
0x7d: {  	s28 =	sadd.s32 $0x80, s25  }
0x7e: {  	[sflag:s14] =	ssyncadd.s32 $0xFFFFC000;
	s29 =	smov.u32 s26;
	s30 =	sadd.s32 $0x400, s26  }
0x7f: {  	[tilespmem:s18], [sflag:$0x2] =	stream.indirect.gather [hbm4b:s4+s16], $0x80, s28, s16, $0xb8;
	[tilespmem:$0x1E800] =	vst v63  }
0x80: {  	p0 =	sne.s32 s26, $0x4800;
	_ =	swait.ge [sflag:s19], $0x4000  }
0x81: {  	[sflag:s19] =	ssyncset.done $0x0  }
0x82: {  	s26 =	sadd.s32 $0x1400, s25;
	[sflag:s19] =	ssyncadd.s32 $0xFFFFC000  }
0x83: {  	[spmem:s2] =	stream.indirect.scatter.add.f32 [tilespmem:s17], [sflag:$0x3], $0x80, s26, s16, $0xb8;
	[tilespmem:$0x1E800] =	vst v63  }
0x84: {  	_ =	swait.ge [sflag:s14], $0x4000  }
0x85: {  	[sflag:s14] =	ssyncset.done $0x0  }
0x86: {  	s26 =	sadd.s32 $0x100, s25;
	[sflag:s14] =	ssyncadd.s32 $0xFFFFC000  }
0x87: {  	[tilespmem:s17], [sflag:$0x1] =	stream.indirect.gather [hbm4b:s4+s16], $0x80, s26, s16, $0xb8;
	[tilespmem:$0x1E800] =	vst v63  }
0x88: {  	_ =	swait.ge [sflag:s20], $0x4000  }
.Ltmp1:
0x89: {  	[sflag:s20] =	ssyncset.done $0x0;
	(pc) =	sbr.rel @p0 .LBB2_4-.Ltmp1, $4  }
0x8a: {  	s25 =	sadd.s32 $0x1480, s25;
	[sflag:s20] =	ssyncadd.s32 $0xFFFFC000  }
0x8b: {  	[spmem:s2] =	stream.indirect.scatter.add.f32 [tilespmem:s18], [sflag:$0x3], $0x80, s25, s16, $0xb8;
	[tilespmem:$0x1E800] =	vst v63  }
0x8c: {  	_ =	swait.ge [sflag:s14], $0x4000  }
0x8d: {  	s26 =	smov.u32 s30;
	s25 =	sshra.s32 s29, $0x2;
	[sflag:s14] =	ssyncset.done $0x0  }
0x8e: {  	s26 =	sadd.s32 $0x80, s25;
	[sflag:s14] =	ssyncadd.s32 $0xFFFFC000  }
0x8f: {  	[tilespmem:s18], [sflag:$0x2] =	stream.indirect.gather [hbm4b:s4+s16], $0x80, s26, s16, $0xb8;
	[tilespmem:$0x1E800] =	vst v63  }
0x90: {  	_ =	swait.ge [sflag:s19], $0x4000  }
0x91: {  	[sflag:s19] =	ssyncset.done $0x0  }
0x92: {  	s29 =	sadd.s32 $0x1400, s25;
	[sflag:s19] =	ssyncadd.s32 $0xFFFFC000  }
0x93: {  	[spmem:s2] =	stream.indirect.scatter.add.f32 [tilespmem:s17], [sflag:$0x3], $0x80, s29, s16, $0xb8;
	[tilespmem:$0x1E800] =	vst v63  }
0x94: {  	_ =	swait.ge [sflag:s14], $0x4000  }
0x95: {  	[sflag:s14] =	ssyncset.done $0x0  }
0x96: {  	s30 =	sadd.s32 $0x100, s25;
	[sflag:s14] =	ssyncadd.s32 $0xFFFFC000  }
0x97: {  	[tilespmem:s17], [sflag:$0x1] =	stream.indirect.gather [hbm4b:s4+s16], $0x80, s30, s16, $0xb8;
	[tilespmem:$0x1E800] =	vst v63  }
0x98: {  	_ =	swait.ge [sflag:s20], $0x4000  }
0x99: {  	[sflag:s20] =	ssyncset.done $0x0  }
0x9a: {  	s31 =	sadd.s32 $0x1480, s25;
	[sflag:s20] =	ssyncadd.s32 $0xFFFFC000  }
0x9b: {  	[spmem:s2] =	stream.indirect.scatter.add.f32 [tilespmem:s18], [sflag:$0x3], $0x80, s31, s16, $0xb8;
	[tilespmem:$0x1E800] =	vst v63  }
0x9c: {  	_ =	swait.ge [sflag:s14], $0x4000  }
0x9d: {  	[sflag:s14] =	ssyncset.done $0x0  }
0x9e: {  	[sflag:s14] =	ssyncadd.s32 $0xFFFFC000  }
0x9f: {  	[tilespmem:s18], [sflag:$0x2] =	stream.indirect.gather [hbm4b:s4+s16], $0x80, s21, s16, $0xb8;
	[tilespmem:$0x1E800] =	vst v63  }
0xa0: {  	_ =	swait.ge [sflag:s19], $0x4000  }
0xa1: {  	[sflag:s19] =	ssyncset.done $0x0  }
0xa2: {  	[sflag:s19] =	ssyncadd.s32 $0xFFFFC000  }
0xa3: {  	[spmem:s2] =	stream.indirect.scatter.add.f32 [tilespmem:s17], [sflag:$0x3], $0x80, s22, s16, $0xb8;
	[tilespmem:$0x1E800] =	vst v63  }
0xa4: {  	_ =	swait.ge [sflag:s14], $0x4000  }
0xa5: {  	[sflag:s14] =	ssyncset.done $0x0  }
0xa6: {  	[sflag:s14] =	ssyncadd.s32 $0xFFFFC000  }
0xa7: {  	_ =	swait.ge [sflag:s20], $0x4000  }
0xa8: {  	[sflag:s20] =	ssyncset.done $0x0  }
0xa9: {  	[sflag:s20] =	ssyncadd.s32 $0xFFFFC000  }
0xaa: {  	[spmem:s2] =	stream.indirect.scatter.add.f32 [tilespmem:s18], [sflag:$0x3], $0x80, s23, s16, $0xb8;
	[tilespmem:$0x1E800] =	vst v63  }
0xab: {  	_ =	swait.ge [sflag:s14], $0x4000  }
0xac: {  	s24 =	sadd.s32 $0x1, s24;
	[sflag:s14] =	ssyncset.done $0x0  }
0xad: {  	p0 =	sne.s32 s24, s8;
	[sflag:s14] =	ssyncadd.s32 $0xFFFFC000  }
.Ltmp2:
0xae: {  	[bflag:$0x0] =	sbarrier.arrive $0xFFFF;
	(pc) =	sbr.rel @p0 .LBB2_1-.Ltmp2, $4  }
0xaf: {  	[hbm:s7], [sflag:s6] =	dma.local [spmem:s13], $0x2800  }
0xb0: {  	_ =	swait.ge [sflag:s14], $0x2800  }
0xb1: {  	[sflag:s14] =	ssyncset.done $0x0  }
0xb2: {  	[sflag:s14] =	ssyncadd.s32 $0xFFFFD800  }
0xb3: {  	_ =	sfence.sel $0x180000  }
0xb4: {  	[bflag:$0x0] =	sbarrier.arrive $0xFFFF  }
0xb5: {  	p0 =	sne.s32 s1, $0x0;
	_ =	strace $0x9000004D  }
0xb6: {  	s0 =	sadd.s32 @!p0 $0x100000, s0;
	[bflag:$0x2] =	sbarrier.arrive $0xFFFF  }
0xb7: {  	[sflag:s0] =	ssyncadd.tile.s32 @!p0 $0x1;
	_ =	shalt  }
.Lfunc_end2:
_tile_overlayer_lowered:
.L_overlay_start_2:
0xb8: {  	(tag) =	ssettag $0x2  }
0xb9: {  	s0 =	rddreg [dreg:$0x0];
	s2 =	stileid.u32  }
0xba: {  	s1 =	rddreg [dreg:$0x1];
	p0 =	sne.s32 s2, $0x0  }
0xbb: {  	s3 =	rddreg [dreg:$0x2];
	[bflag:$0x3] =	sbarrier.arrive $0xFFFF;
	s2 =	simm.s32 @!p0 $0x1C03  }
0xbc: {  	[timem:s3], [sflag:s2] =	dma.local @!p0 [hbm:s0], s1  }
0xbd: {  	s0 =	simm.s32 @!p0 $0x3  }
0xbe: {  	_ =	swait.ge @!p0 [sflag:s0], s1  }
0xbf: {  	s1 =	ssub.s32 @!p0 $0x0, s1;
	[sflag:s0] =	ssyncset.done @!p0 $0x0  }
0xc0: {  	[sflag:s0] =	ssyncadd.s32 @!p0 s1  }
0xc1: {  	[bflag:$0x3] =	sbarrier.arrive $0xFFFF  }
0xc2: {  	_ =	shalt  }

// kernel: kernel.8.cloned.1.call-start
scs
__scs_entry_jumppad:
0x0: {  	(pc) =	sbr.rel $0x88, $3  }
0x1: {  	(tag) =	ssettag $0x0;
	lr =	simm.s32 $0x1  }
0x2: {  	[smem:$0x3F9B] =	sst lr;
	_ =	strace $0xD0000000  }
0x3: {  	_ = 	snop  }
0x4: {  	_ = 	snop  }
0x5: {  	_ = 	snop  }
0x6: {  	_ = 	snop  }
0x7: {  	_ = 	snop  }
__scs_overlays_trampoline_lowered:
0x8: {  	[smem:$0x3FAA] =	sst s0  }
0x9: {  	[smem:$0x3FAB] =	sst s1  }
0xa: {  	[smem:$0x3FAC] =	sst s2  }
0xb: {  	[smem:$0x3FAD] =	sst s3  }
0xc: {  	[smem:$0x3FAE] =	sst s4  }
0xd: {  	[smem:$0x3FAF] =	sst s5  }
0xe: {  	[smem:$0x3FB0] =	sst s6  }
0xf: {  	[smem:$0x3FB1] =	sst s7  }
0x10: {  	[smem:$0x3FB2] =	sst s8  }
0x11: {  	[smem:$0x3FB3] =	sst s9;
	s0 =	simm.s32 @!p0 $0x0  }
0x12: {  	s1 =	sld [smem:$0x3F99];
	s0 =	simm.s32 @p0 $0x1  }
0x13: {  	[smem:$0x3FB4] =	sst s0;
	s0 =	simm.s32 @!p1 $0x0  }
0x14: {  	s2 =	sld [smem:$0x3F98];
	s0 =	simm.s32 @p1 $0x1  }
0x15: {  	[smem:$0x3FB5] =	sst s0;
	s0 =	simm.s32 @!p2 $0x0  }
0x16: {  	s3 =	sld [smem:$0x3FDB];
	s0 =	simm.s32 @p2 $0x1  }
0x17: {  	s4 =	simm.s32 $0x1BF5;
	[smem:$0x3FB7] =	sst s0  }
0x18: {  	s0 =	sld [smem:$0x3F9A];
	_ =	swait.ge [sflag:s4], $0x0  }
0x19: {  	s7 =	sld [smem:$0x3F9B]  }
0x1a: {  	s8 =	sadd.s32 $0xFFFFE003, lr  }
0x1b: {  	s9 =	sadd.s32 $0xFFFFFEF7, lr;
	s5 =	simm.s32 $0xFFFFFFFF;
	p2 =	slt.u32 s8, $0xFFFFF086  }
0x1c: {  	p1 =	slt.u32 s9, $0xF7A;
	s5 =	simm.s32 @!p2 $0x0  }
0x1d: {  	s5 =	simm.s32 @p1 $0x1;
	p0 =	seq.s32 s7, s2  }
0x1e: {  	s7 =	smul.u32 @!p0 $0xF7A, s2;
	p2 =	seq.s32 @!p0 s5, $0x0  }
0x1f: {  	s9 =	smul.u32 $0xF7A, s1;
	s8 =	simm.s32 @!p0 $0x1BF5;
	p2 =	por !p2, p0  }
0x20: {  	[sflag:s8] =	ssyncset.s32 @!p0 $0xFFFFF086;
	s6 =	sadd.s32 @!p0 s3, s7;
	s7 =	simm.s32 @!p0 $0x108  }
0x21: {  	s3 =	sadd.s32 s3, s9;
	s6 =	sadd.s32 @!p0 $0x88, s6;
	s7 =	simm.s32 @p2 $0x1082  }
0x22: {  	[simem:s7], [sflag:s8] =	dma.local @!p0 [hbm:s6], $0xF7A  }
0x23: {  	s9 =	sor.u32 $0xD0000000, s2;
	s6 =	simm.s32 $0x108;
	_ =	swait.ge @!p0 [sflag:s8], $0x0  }
0x24: {  	s3 =	sadd.s32 $0x88, s3;
	s6 =	simm.s32 @!p1 $0x1082;
	[sflag:s4] =	ssyncset.s32 $0xFFFFF086  }
0x25: {  	[simem:s6], [sflag:s4] =	dma.local [hbm:s3], $0xF7A  }
0x26: {  	[smem:$0x3F9B] =	sst s1;
	(tag) =	ssettag s2;
	_ =	strace s9  }
0x27: {  	s1 =	sld [smem:$0x3FAB]  }
0x28: {  	s2 =	sld [smem:$0x3FAC]  }
0x29: {  	s4 =	sld [smem:$0x3FAE]  }
0x2a: {  	p0 =	seq.s32 s5, $0x0;
	s5 =	sld [smem:$0x3FAF]  }
0x2b: {  	s6 =	sld [smem:$0x3FB0]  }
0x2c: {  	s7 =	sld [smem:$0x3FB1]  }
0x2d: {  	s3 =	simm.s32 $0x108;
	s8 =	sld [smem:$0x3FB2]  }
0x2e: {  	s3 =	simm.s32 @!p0 $0x1082;
	s9 =	sld [smem:$0x3FB3]  }
0x2f: {  	lr =	sadd.s32 s0, s3;
	s0 =	sld [smem:$0x3FAA]  }
0x30: {  	s3 =	sld [smem:$0x3FAD]  }
0x31: {  	[smem:$0x3FB6] =	sst s10  }
0x32: {  	s10 =	sld [smem:$0x3FB4];
	_ =	sdelay $0x3  }
0x33: {  	p0 =	seq.s32 s10, $0x1;
	s10 =	sld [smem:$0x3FB6];
	_ =	sdelay $0x3  }
0x34: {  	[smem:$0x3FB6] =	sst s10  }
0x35: {  	s10 =	sld [smem:$0x3FB5];
	_ =	sdelay $0x3  }
0x36: {  	p1 =	seq.s32 s10, $0x1;
	s10 =	sld [smem:$0x3FB6];
	_ =	sdelay $0x3  }
0x37: {  	[smem:$0x3FB6] =	sst s10  }
0x38: {  	s10 =	sld [smem:$0x3FB7]  }
0x39: {  	_ = 	snop;
	(pc) =	sbr.ind lr, $3  }
0x3a: {  	_ = 	snop  }
0x3b: {  	_ = 	snop  }
0x3c: {  	p2 =	seq.s32 s10, $0x1;
	s10 =	sld [smem:$0x3FB6]  }
0x3d: {  	_ =	shalt  }
0x3e: {  	_ =	shalt  }
0x3f: {  	_ =	shalt  }
0x40: {  	_ =	shalt  }
0x41: {  	_ =	shalt  }
0x42: {  	_ =	shalt  }
0x43: {  	_ =	shalt  }
0x44: {  	_ =	shalt  }
0x45: {  	_ =	shalt  }
0x46: {  	_ =	shalt  }
0x47: {  	_ =	shalt  }
0x48: {  	_ =	shalt  }
0x49: {  	_ =	shalt  }
0x4a: {  	_ =	shalt  }
0x4b: {  	_ =	shalt  }
0x4c: {  	_ =	shalt  }
0x4d: {  	_ =	shalt  }
0x4e: {  	_ =	shalt  }
0x4f: {  	_ =	shalt  }
0x50: {  	_ =	shalt  }
0x51: {  	_ =	shalt  }
0x52: {  	_ =	shalt  }
0x53: {  	_ =	shalt  }
0x54: {  	_ =	shalt  }
0x55: {  	_ =	shalt  }
0x56: {  	_ =	shalt  }
0x57: {  	_ =	shalt  }
0x58: {  	_ =	shalt  }
0x59: {  	_ =	shalt  }
0x5a: {  	_ =	shalt  }
0x5b: {  	_ =	shalt  }
0x5c: {  	_ =	shalt  }
0x5d: {  	_ =	shalt  }
0x5e: {  	_ =	shalt  }
0x5f: {  	_ =	shalt  }
0x60: {  	_ =	shalt  }
0x61: {  	_ =	shalt  }
0x62: {  	_ =	shalt  }
0x63: {  	_ =	shalt  }
0x64: {  	_ =	shalt  }
0x65: {  	_ =	shalt  }
0x66: {  	_ =	shalt  }
0x67: {  	_ =	shalt  }
0x68: {  	_ =	shalt  }
0x69: {  	_ =	shalt  }
0x6a: {  	_ =	shalt  }
0x6b: {  	_ =	shalt  }
0x6c: {  	_ =	shalt  }
0x6d: {  	_ =	shalt  }
0x6e: {  	_ =	shalt  }
0x6f: {  	_ =	shalt  }
0x70: {  	_ =	shalt  }
0x71: {  	_ =	shalt  }
0x72: {  	_ =	shalt  }
0x73: {  	_ =	shalt  }
0x74: {  	_ =	shalt  }
0x75: {  	_ =	shalt  }
0x76: {  	_ =	shalt  }
0x77: {  	_ =	shalt  }
0x78: {  	_ =	shalt  }
0x79: {  	_ =	shalt  }
0x7a: {  	_ =	shalt  }
0x7b: {  	_ =	shalt  }
0x7c: {  	_ =	shalt  }
0x7d: {  	_ =	shalt  }
0x7e: {  	_ =	shalt  }
0x7f: {  	_ =	shalt  }
0x80: {  	_ =	shalt  }
0x81: {  	_ =	shalt  }
0x82: {  	_ =	shalt  }
0x83: {  	_ =	shalt  }
0x84: {  	_ =	shalt  }
0x85: {  	_ =	shalt  }
0x86: {  	_ =	shalt  }
0x87: {  	_ =	shalt  }
.Lfunc_end0:
.L_simem_size_0:
called_computation_lowered:
.L_overlay_start_0:
0x88: {  	s2 =	sld [smem:$0x3FD9]  }
0x89: {  	s3 =	sld [smem:$0x3FFE];
	_ =	sdelay $0x1  }
0x8a: {  	s1 =	srdreg.scid  }
0x8b: {  	s0 =	sand.u32 $0x1, s1  }
0x8c: {  	s16 =	sshll.u32 s0, $0xA;
	s2 =	sadd.s32 s3, s2  }
0x8d: {  	s2 =	sadd.s32 s2, s16  }
0x8e: {  	[smem:$0x3FC2] =	sst s2  }
0x8f: {  	_ = 	snop  }
0x90: {  	(tm) =	ssettm $0x1  }
0x91: {  	s17 =	sld [smem:$0x3FFB];
	_ =	sdelay $0x3  }
0x92: {  	_ =	strace s17  }
0x93: {  	s2 =	sld [smem:$0x3FFC];
	_ =	sdelay $0x3  }
0x94: {  	_ =	strace s2  }
0x95: {  	s2 =	sld [smem:$0x3FFD];
	_ =	sdelay $0x3  }
0x96: {  	_ =	strace s2  }
0x97: {  	_ =	strace $0x8FFFFFFF  }
0x98: {  	s18 =	sld [smem:$0x3FDB];
	_ =	sdelay $0x1  }
0x99: {  	s19 =	simm.s32 $_scs_section_size  }
0x9a: {  	s4 =	simm.s32 $_size__tile_overlayer_lowered;
	s5 =	simm.s32 $_tile_overlayer_lowered  }
0x9b: {  	s22 =	simm.s32 $0x1BFF;
	s21 =	sshll.u32 s5, $0x1;
	s2 =	sadd.s32 s19, s18  }
0x9c: {  	s6 =	simm.s32 $0x0;
	s20 =	sshll.u32 s4, $0x1;
	s4 =	sadd.s32 s21, s2  }
0x9d: {  	[timem:s6], [sflag:s22] =	dma.local [hbm:s4], s20  }
0x9e: {  	_ =	swait.ge [sflag:s22], s20  }
0x9f: {  	s3 =	ssub.s32 $0x0, s20;
	[sflag:s22] =	ssyncset.done $0x0  }
0xa0: {  	[sflag:s22] =	ssyncadd.s32 s3;
	_ =	sdelay $0x1  }
0xa1: {  	s23 =	simm.s32 $0x1B8B  }
0xa2: {  	_ =	swait.ge [sflag:s23], $0x1  }
0xa3: {  	[sflag:s23] =	ssyncset.done $0x0  }
0xa4: {  	s25 =	simm.s32 $0x1B8E;
	s24 =	sld [smem:$0x3FFE];
	[sflag:s23] =	ssyncadd.s32 $0xFFFFFFFF  }
0xa5: {  	s26 =	simm.s32 $execute0_lowered;
	[smem:$0x3FD2] =	sst s25  }
0xa6: {  	s4 =	sshll.u32 s26, $0x1;
	_ =	strace $0x80000046;
	[dreg:$0x1] =	wrdreg $0xFFFFFFFF  }
0xa7: {  	s28 =	simm.s32 $_size_execute0_lowered;
	s2 =	sadd.s32 s2, s4;
	[dreg:$0x0] =	wrdreg $0x0  }
0xa8: {  	s4 =	sshll.u32 s28, $0x1;
	[dreg:$0x2] =	wrdreg s2  }
0xa9: {  	[dreg:$0x3] =	wrdreg s4  }
0xaa: {  	[dreg:$0x4] =	wrdreg $0xC0  }
0xab: {  	_ =	task [dreg:s6], $0x5FFFF  }
0xac: {  	[dreg:$0x1] =	wrdreg $0xFFFFFFFF  }
0xad: {  	[dreg:$0x0] =	wrdreg $0x60  }
0xae: {  	[dreg:$0x2] =	wrdreg s24  }
0xaf: {  	[dreg:$0x3] =	wrdreg $0x55000  }
0xb0: {  	[dreg:$0x4] =	wrdreg $0x9  }
0xb1: {  	_ =	task.clear_ibuf [dreg:s6], $0x5FFFF;
	_ =	strace $0x90000046  }
0xb2: {  	s29 =	simm.s32 $0x9;
	_ =	strace $0x80000048  }
0xb3: {  	_ =	swait.ge [sflag:s29], $0x1  }
0xb4: {  	[sflag:s29] =	ssyncadd.s32 $0xFFFFFFFF  }
0xb5: {  	_ =	strace $0x90000048  }
0xb6: {  	_ =	sfence  }
0xb7: {  	s30 =	sld [smem:$0x0];
	_ =	sdelay $0x2  }
0xb8: {  	s31 =	sshll.u32 s1, $0xD;
	s1 =	sshrl.u32 s1, $0x2  }
0xb9: {  	s3 =	sand.u32 $0x4000, s31;
	s1 =	sadd.s32 s1, s30  }
0xba: {  	s0 =	sor.u32 s3, s0;
	s1 =	sshll.u32 s1, $0x11  }
0xbb: {  	s0 =	sor.u32 s1, s0  }
0xbc: {  	s0 =	sadd.s32 $0x8F2B, s0  }
0xbd: {  	[sflag:s0] =	ssyncadd.remote.s32 $0x1  }
0xbe: {  	_ =	sfence.sel $0xFFFF  }
0xbf: {  	[dreg:$0x0] =	wrdreg $0xFFFFFFFF;
	(pc) =	sbr.abs _section_cstart, $3  }
0xc0: {  	[dreg:$0x1] =	wrdreg $0xFFFFFFFF  }
0xc1: {  	_ =	task.clear_ibuf [dreg:s6], $0x2FFFF;
	_ =	strace $0x9FFFFFFF  }
0xc2: {  	(tm) =	ssettm $0x7FFFFFFF  }
0xc3: {  	_ =	shalt  }
tec
execute0_lowered:
.L_overlay_start_1:
0x0: {  	(tag) =	ssettag $0x1  }
0x1: {  	s0 =	stileid.u32;
	s4 =	rddreg [dreg:$0x0]  }
0x2: {  	s2 =	srdreg.scid;
	s6 =	rddreg [dreg:$0x1]  }
0x3: {  	s11 =	simm.s32 $0x2800;
	s12 =	simm.s32 $0x5000;
	s13 =	simm.s32 $0x5280  }
0x4: {  	s14 =	simm.s32 $0x100;
	s15 =	simm.s32 $0x0;
	s1 =	sshrl.u32 s0, $0x2  }
0x5: {  	s3 =	sshll.u32 s0, $0x8;
	s5 =	sand.u32 $0x1, s2;
	s8 =	smul.u32 $0x500, s0  }
0x6: {  	s2 =	simm.s32 $0x0;
	s26 =	sshrl.u32 s0, $0x3;
	s28 =	smul.u32 $0x5000, s0  }
0x7: {  	s29 =	sshll.u32 s0, $0x7;
	s1 =	smul.u32 $0x14000, s1;
	s24 =	sand.u32 $0x300, s3  }
0x8: {  	s25 =	sshll.u32 s5, $0x7;
	[smem:$0x7FF] =	sst s2;
	s5 =	ssub.s32 $0x2, s5  }
0x9: {  	s3 =	sor.u32 s25, s8;
	s9 =	sshrl.u32 s5, $0x1;
	s8 =	smul.u32 $0x50000, s26  }
0xa: {  	s31 =	sshrl.u32 s28, $0x2;
	s7 =	sor.u32 s1, s24;
	s1 =	rddreg [dreg:$0x2]  }
0xb: {  	_ =	strace $0x80000047;
	s3 =	sshrl.u32 s3, $0x3;
	s7 =	sor.u32 s25, s7  }
0xc: {  	s9 =	ssub.s32 s5, s9;
	s5 =	sand.u32 $0x380, s29;
	s7 =	sshrl.u32 s7, $0x3  }
0xd: {  	s10 =	sadd.s32 s3, s4;
	s30 =	sshrl.u32 s8, $0x2;
	s7 =	sadd.s32 s7, s4  }
0xe: {  	s8 =	simm.s32 $0x80;
	s3 =	sadd.s32 $0xC200, s7;
	s7 =	sadd.s32 s30, s6  }
0xf: {  	s4 =	sadd.s32 s5, s7;
	s5 =	sadd.s32 s31, s6;
	s6 =	sadd.s32 $0x16200, s10  }
0x10: {  	v0 =	vimm.f32 $0.0e+00;
	s7 =	smax.u32 s9, $0x1;
	s9 =	simm.s32 $0x400;
	s10 =	simm.s32 $0x1  }
.LBB2_1:
0x11: {  	[tilespmem:s2], [sflag:$0x1] =	stream.strided.gather [hbm4b:s3+s8], $0x2800, s9, s8, $0x38;
	[tilespmem:$0x7D00] =	vst v63  }
0x12: {  	_ =	swait.ge [sflag:s10], $0x2800  }
0x13: {  	[sflag:s10] =	ssyncset.done $0x0  }
0x14: {  	s16 =	simm.s32 $0x0;
	[sflag:s10] =	ssyncadd.s32 $0xFFFFD800  }
.LBB2_2:
0x15: {  	p0 =	sne.s32 s16, $0x9F00  }
.Ltmp0:
0x16: {  	s17 =	sshra.s32 s16, $0x2;
	(pc) =	sbr.rel @p0 .LBB2_2-.Ltmp0, $4  }
0x17: {  	[tilespmem:s17+$0x2800] =	vst v0  }
0x18: {  	[tilespmem:s17+$0x2810] =	vst v0  }
0x19: {  	[tilespmem:s17+$0x2820] =	vst v0  }
0x1a: {  	s16 =	sadd.s32 $0x100, s16;
	[tilespmem:s17+$0x2830] =	vst v0  }
0x1b: {  	s16 =	simm.s32 $0x0  }
.LBB2_4:
0x1c: {  	s17 =	sshra.s32 s16, $0x2  }
0x1d: {  	v1 =	vld [tilespmem:s17+$0x0];
	_ =	sdelay $0x4  }
0x1e: {  	(xrf1) =	vunique.msk.u32 $0xffff, v1;
	_ =	sdelay $0xd  }
0x1f: {  	_, v2, vm0 =	vpop (xrf1);
	_ =	sdelay $0x3  }
0x20: {  	v2 =	vcvt.s32.f32 v2;
	_ =	sdelay $0x1  }
0x21: {  	[tilespmem:v1+s11+$0x0] =	vst.idx.add.f32.msk vm0, v2  }
0x22: {  	v1 =	vld [tilespmem:s17+$0x10];
	_ =	sdelay $0x4  }
0x23: {  	(xrf1) =	vunique.msk.u32 $0xffff, v1;
	_ =	sdelay $0xd  }
0x24: {  	_, v2, vm0 =	vpop (xrf1);
	_ =	sdelay $0x3  }
0x25: {  	v2 =	vcvt.s32.f32 v2;
	_ =	sdelay $0x1  }
0x26: {  	[tilespmem:v1+s11+$0x0] =	vst.idx.add.f32.msk vm0, v2  }
0x27: {  	v1 =	vld [tilespmem:s17+$0x20];
	_ =	sdelay $0x4  }
0x28: {  	(xrf1) =	vunique.msk.u32 $0xffff, v1;
	_ =	sdelay $0xd  }
0x29: {  	_, v2, vm0 =	vpop (xrf1);
	_ =	sdelay $0x3  }
0x2a: {  	v2 =	vcvt.s32.f32 v2;
	_ =	sdelay $0x1  }
0x2b: {  	[tilespmem:v1+s11+$0x0] =	vst.idx.add.f32.msk vm0, v2  }
0x2c: {  	v1 =	vld [tilespmem:s17+$0x30];
	_ =	sdelay $0x4  }
0x2d: {  	(xrf1) =	vunique.msk.u32 $0xffff, v1;
	_ =	sdelay $0xd  }
0x2e: {  	_, v2, vm0 =	vpop (xrf1)  }
0x2f: {  	p0 =	sne.s32 s16, $0x9F00  }
.Ltmp1:
0x30: {  	_ = 	snop;
	(pc) =	sbr.rel @p0 .LBB2_4-.Ltmp1, $3  }
0x31: {  	_ = 	snop  }
0x32: {  	v2 =	vcvt.s32.f32 v2;
	_ =	sdelay $0x1  }
0x33: {  	s16 =	sadd.s32 $0x100, s16;
	[tilespmem:v1+s11+$0x0] =	vst.idx.add.f32.msk vm0, v2  }
0x34: {  	[spmem:s4] =	stream.strided.scatter [tilespmem:s11], [sflag:$0x1], $0x2800, s9, s8, $0x38;
	[tilespmem:$0x7D00] =	vst v63  }
0x35: {  	_ =	swait.ge [sflag:s10], $0x2800  }
0x36: {  	[sflag:s10] =	ssyncset.done $0x0  }
0x37: {  	[sflag:s10] =	ssyncadd.s32 $0xFFFFD800  }
0x38: {  	[bflag:$0x0] =	sbarrier.arrive $0xFFFF  }
0x39: {  	[tilespmem:s12], [sflag:$0x1] =	stream.strided.gather [spmem:s5], $0x280, s9, s8, $0x38;
	[tilespmem:$0x7D00] =	vst v63  }
0x3a: {  	_ =	swait.ge [sflag:s10], $0x280  }
0x3b: {  	[sflag:s10] =	ssyncset.done $0x0  }
0x3c: {  	s16 =	simm.s32 $0x0;
	[sflag:s10] =	ssyncadd.s32 $0xFFFFFD80  }
.LBB2_7:
0x3d: {  	s16 =	sadd.s32 $0x1, s16  }
0x3e: {  	s17 =	sshrl.u32 s16, $0x3  }
0x3f: {  	s17 =	smul.u32 $0x50000, s17;
	_ =	sdelay $0x1  }
0x40: {  	s18 =	sshll.u32 s16, $0x7;
	s17 =	sshra.s32 s17, $0x2  }
0x41: {  	s18 =	sand.u32 $0x380, s18;
	s17 =	sadd.s32 s17, s5  }
0x42: {  	s17 =	sadd.s32 s18, s17  }
0x43: {  	[tilespmem:s13], [sflag:$0x1] =	stream.strided.gather [spmem:s17], $0x280, s9, s8, $0x38;
	[tilespmem:$0x7D00] =	vst v63  }
0x44: {  	_ =	swait.ge [sflag:s10], $0x280  }
0x45: {  	[sflag:s10] =	ssyncset.done $0x0  }
0x46: {  	s17 =	simm.s32 $0x0;
	[sflag:s10] =	ssyncadd.s32 $0xFFFFFD80  }
0x47: {  	s18 =	simm.s32 $0x40;
	v1 =	vld [tilespmem:s17+$0x5280]  }
.LBB2_8:
0x48: {  	p0 =	seq.s32 s18, $0x9C0;
	v2 =	vld [tilespmem:s17+$0x5000];
	_ =	sdelay $0x2  }
.Ltmp2:
0x49: {  	(pc) =	sbr.rel @!p0 .LBB2_8-.Ltmp2, $4  }
0x4a: {  	_ = 	snop  }
0x4b: {  	v2 =	vadd.f32 v1, v2  }
0x4c: {  	s19 =	sshra.s32 s18, $0x2  }
0x4d: {  	s18 =	sadd.s32 $0x40, s18;
	v1 =	vld [tilespmem:s19+$0x5280];
	[tilespmem:s17+$0x5000] =	vst v2;
	s17 =	smov.u32 s19  }
0x4e: {  	v2 =	vld [tilespmem:s17+$0x5000];
	_ =	sdelay $0x4  }
0x4f: {  	v1 =	vadd.f32 v1, v2;
	_ =	sdelay $0x1  }
0x50: {  	[tilespmem:s17+$0x5000] =	vst v1  }
0x51: {  	p0 =	seq.s32 s16, $0xF  }
.Ltmp3:
0x52: {  	_ = 	snop;
	(pc) =	sbr.rel @!p0 .LBB2_7-.Ltmp3, $1  }
0x53: {  	_ =	sdelay $0x3  }
0x54: {  	s15 =	sadd.s32 $0x1, s15  }
0x55: {  	p0 =	sne.s32 s15, s7  }
.Ltmp4:
0x56: {  	_ = 	snop;
	(pc) =	sbr.rel @p0 .LBB2_1-.Ltmp4, $4  }
0x57: {  	[hbm4b:s6+s8] =	stream.strided.scatter [tilespmem:s12], [sflag:$0x1], $0x280, s14, s8, $0x38;
	[tilespmem:$0x7D00] =	vst v63  }
0x58: {  	_ =	swait.ge [sflag:s10], $0x280  }
0x59: {  	[sflag:s10] =	ssyncset.done $0x0  }
0x5a: {  	[sflag:s10] =	ssyncadd.s32 $0xFFFFFD80  }
0x5b: {  	_ =	sfence.sel $0x180000  }
0x5c: {  	[bflag:$0x0] =	sbarrier.arrive $0xFFFF  }
0x5d: {  	p0 =	sne.s32 s0, $0x0;
	_ =	strace $0x90000047  }
0x5e: {  	s0 =	sadd.s32 @!p0 $0x100000, s1;
	[bflag:$0x2] =	sbarrier.arrive $0xFFFF  }
0x5f: {  	[sflag:s0] =	ssyncadd.tile.s32 @!p0 $0x1;
	_ =	shalt  }
.Lfunc_end2:
_tile_overlayer_lowered:
.L_overlay_start_2:
0x60: {  	(tag) =	ssettag $0x2  }
0x61: {  	s0 =	rddreg [dreg:$0x0];
	s2 =	stileid.u32  }
0x62: {  	s1 =	rddreg [dreg:$0x1];
	p0 =	sne.s32 s2, $0x0  }
0x63: {  	s3 =	rddreg [dreg:$0x2];
	[bflag:$0x3] =	sbarrier.arrive $0xFFFF;
	s2 =	simm.s32 @!p0 $0x1C01  }
0x64: {  	[timem:s3], [sflag:s2] =	dma.local @!p0 [hbm:s0], s1  }
0x65: {  	s0 =	simm.s32 @!p0 $0x1  }
0x66: {  	_ =	swait.ge @!p0 [sflag:s0], s1  }
0x67: {  	s1 =	ssub.s32 @!p0 $0x0, s1;
	[sflag:s0] =	ssyncset.done @!p0 $0x0  }
0x68: {  	[sflag:s0] =	ssyncadd.s32 @!p0 s1  }
0x69: {  	[bflag:$0x3] =	sbarrier.arrive $0xFFFF  }
0x6a: {  	_ =	shalt  }

</sc_bundles>
